<compile_context>
chip_gen: v7x
topology: tpu7x:2x2x1
jax: 0.10.2.dev20260603
libtpu: 0.0.44.dev20260713+nightly
codegen_flags: <defaults>
</compile_context>

<pallas_src>
import functools

import jax
import jax.numpy as jnp
from jax import lax
from jax.experimental import pallas as pl
from jax.experimental.pallas import tpu as pltpu
from jax.experimental.pallas import tpu_sc as plsc

N = 10000
E = 320000
D = 128

NPAD = 10240
NW = 32
EB = 128
S = 80
E_PAD = NW * S * EB
R = NPAD // 16
CH = 128
NCH = R // CH
Q = 16
NQ = S // Q

def _sc_deg_body(dst_hbm, out_hbm, deg_sh, idx_v, ones_v, buf_v):
    c = lax.axis_index("c")
    s = lax.axis_index("s")
    w = c * 16 + s
    base = s * R

    @pl.loop(0, EB)
    def _init(i):
        ones_v[i] = jnp.ones((16,), jnp.float32)
        buf_v[i] = jnp.zeros((16,), jnp.float32)

    for t in range(NCH):
        pltpu.sync_copy(buf_v.at[pl.ds(0, CH)], deg_sh.at[pl.ds(base + CH * t, CH)])
    pltpu.sync_copy(dst_hbm.at[w], idx_v)
    plsc.subcore_barrier()

    @pl.loop(0, S)
    def _hist(j):
        pltpu.sync_copy(ones_v, deg_sh.at[idx_v.at[j]], add=True)

    plsc.subcore_barrier()
    for t in range(NCH):
        pltpu.sync_copy(deg_sh.at[pl.ds(base + CH * t, CH)], buf_v.at[pl.ds(0, CH)])
        pltpu.sync_copy(buf_v.at[pl.ds(0, CH)], out_hbm.at[c, pl.ds(base + CH * t, CH)])


@functools.cache
def _sc_deg():
    mesh = plsc.VectorSubcoreMesh(core_axis_name="c", subcore_axis_name="s")
    return pl.kernel(
        _sc_deg_body,
        out_type=jax.ShapeDtypeStruct((2, NPAD, 16), jnp.float32),
        mesh=mesh,
        scratch_types=[
            pltpu.VMEM_SHARED((NPAD, 16), jnp.float32),
            pltpu.VMEM((S, EB), jnp.int32),
            pltpu.VMEM((EB, 16), jnp.float32),
            pltpu.VMEM((EB, 16), jnp.float32),
        ],
    )


def _sc_agg_body(y_hbm, src_hbm, dst_hbm, out_hbm, acc_sh, isrc_v, idst_v,
                 rows_v, sem):
    c = lax.axis_index("c")
    s = lax.axis_index("s")
    w = c * 16 + s
    base = s * R

    @pl.loop(0, EB)
    def _zero(i):
        for k in range(8):
            rows_v[i, pl.ds(k * 16, 16)] = jnp.zeros((16,), jnp.float32)

    for t in range(NCH):
        pltpu.sync_copy(rows_v.at[pl.ds(0, CH)], acc_sh.at[pl.ds(base + CH * t, CH)])
    pltpu.sync_copy(src_hbm.at[w], isrc_v)
    pltpu.sync_copy(dst_hbm.at[w], idst_v)
    plsc.subcore_barrier()

    @pl.loop(0, S)
    def _edges(j):
        pltpu.async_copy(y_hbm.at[isrc_v.at[j]], rows_v, sem).wait()
        pltpu.sync_copy(rows_v, acc_sh.at[idst_v.at[j]], add=True)

    plsc.subcore_barrier()
    for t in range(NCH):
        pltpu.sync_copy(acc_sh.at[pl.ds(base + CH * t, CH)], rows_v.at[pl.ds(0, CH)])
        pltpu.sync_copy(rows_v.at[pl.ds(0, CH)], out_hbm.at[c, pl.ds(base + CH * t, CH)])


@functools.cache
def _sc_agg():
    mesh = plsc.VectorSubcoreMesh(core_axis_name="c", subcore_axis_name="s")
    return pl.kernel(
        _sc_agg_body,
        out_type=jax.ShapeDtypeStruct((2, NPAD, D), jnp.float32),
        mesh=mesh,
        scratch_types=[
            pltpu.VMEM_SHARED((NPAD, D), jnp.float32),
            pltpu.VMEM((S, EB), jnp.int32),
            pltpu.VMEM((S, EB), jnp.int32),
            pltpu.VMEM((EB, D), jnp.float32),
            pltpu.SemaphoreType.DMA,
        ],
    )

BLK = 2560


def _tc_xw_body(x_ref, w_ref, xw_ref):
    xw_ref[...] = jnp.dot(x_ref[...], w_ref[...],
                          preferred_element_type=jnp.float32)


_tc_xw = pl.pallas_call(
    _tc_xw_body,
    grid=(NPAD // BLK,),
    in_specs=[
        pl.BlockSpec((BLK, D), lambda i: (i, 0)),
        pl.BlockSpec((D, D), lambda i: (0, 0)),
    ],
    out_specs=pl.BlockSpec((BLK, D), lambda i: (i, 0)),
    out_shape=jax.ShapeDtypeStruct((NPAD, D), jnp.float32),
)


def _tc_scale_body(xw_ref, degs_ref, y_ref):
    deg = degs_ref[0, :, 0] + degs_ref[1, :, 0] + 1.0
    dis = lax.rsqrt(deg)
    y_ref[...] = xw_ref[...] * dis[:, None]


_tc_scale = pl.pallas_call(
    _tc_scale_body,
    grid=(NPAD // BLK,),
    in_specs=[
        pl.BlockSpec((BLK, D), lambda i: (i, 0)),
        pl.BlockSpec((2, BLK, 16), lambda i: (0, i, 0)),
    ],
    out_specs=pl.BlockSpec((BLK, D), lambda i: (i, 0)),
    out_shape=jax.ShapeDtypeStruct((NPAD, D), jnp.float32),
)


BLKF = 2000


def _tc_final_body(acc_ref, y_ref, degs_ref, b_ref, o_ref):
    deg = degs_ref[0, :, 0] + degs_ref[1, :, 0] + 1.0
    dis = lax.rsqrt(deg)
    h = acc_ref[0] + acc_ref[1] + y_ref[...]
    h = h * dis[:, None] + b_ref[...]
    nrm = jnp.sqrt(jnp.sum(h * h, axis=1, keepdims=True))
    o_ref[...] = h / jnp.maximum(nrm, 1e-12)


_tc_final = pl.pallas_call(
    _tc_final_body,
    grid=(N // BLKF,),
    in_specs=[
        pl.BlockSpec((2, BLKF, D), lambda i: (0, i, 0)),
        pl.BlockSpec((BLKF, D), lambda i: (i, 0)),
        pl.BlockSpec((2, BLKF, 16), lambda i: (0, i, 0)),
        pl.BlockSpec((1, D), lambda i: (0, 0)),
    ],
    out_specs=pl.BlockSpec((BLKF, D), lambda i: (i, 0)),
    out_shape=jax.ShapeDtypeStruct((N, D), jnp.float32),
)


@jax.jit
def kernel(x, edge_index, W, b):
    src = edge_index[0]
    dst = edge_index[1]
    pad = N + jnp.arange(E_PAD - E, dtype=jnp.int32) % (NPAD - N)
    src_p = jnp.concatenate([src, pad]).reshape(NW, S, EB)
    dst_p = jnp.concatenate([dst, pad]).reshape(NW, S, EB)

    xw = _tc_xw(x, W)
    degs = _sc_deg()(dst_p)
    y = _tc_scale(xw, degs)
    accs = _sc_agg()(y, src_p, dst_p)
    return _tc_final(accs, y, degs, b.reshape(1, D))

# --- scband reference (transcript-rebuilt; emitter-appended) ---
"""Pipeline reference for scband-gcn-80530636800448 (READ-ONLY COPY).

The authoritative reference and input builder live on the scoring server;
editing this copy changes nothing except your own understanding.
"""

import jax, jax.numpy as jnp
import numpy as np

N_NODES = 10000
N_EDGES = 320000
D_IN = 128
D_OUT = 128


def setup_inputs(seed: int = 0) -> dict:
    key = jax.random.key(seed)
    k1, k2, k3 = jax.random.split(key, 3)
    x = jax.random.normal(k1, (N_NODES, D_IN), dtype=jnp.float32)
    edge_index = jax.random.randint(k2, (2, N_EDGES), 0, N_NODES, dtype=jnp.int32)
    # GCNConv glorot-initialized weight and zero bias
    limit = float(np.sqrt(6.0 / (D_IN + D_OUT)))
    W = jax.random.uniform(k3, (D_IN, D_OUT), minval=-limit, maxval=limit, dtype=jnp.float32)
    b = jnp.zeros((D_OUT,), dtype=jnp.float32)
    return {"x": x, "edge_index": edge_index, "W": W, "b": b}


def _gcn_conv(x, edge_index, W, b):
    # PyG GCNConv with add_self_loops=True, normalize=True, edge_weight=None
    n = x.shape[0]
    src = edge_index[0]
    dst = edge_index[1]
    loop = jnp.arange(n, dtype=src.dtype)
    src = jnp.concatenate([src, loop], axis=0)
    dst = jnp.concatenate([dst, loop], axis=0)
    w = jnp.ones(src.shape[0], dtype=x.dtype)
    deg = jnp.zeros((n,), dtype=x.dtype).at[dst].add(w)
    deg_inv_sqrt = jnp.where(deg > 0, jax.lax.rsqrt(jnp.maximum(deg, 1e-12)), 0.0)
    norm = deg_inv_sqrt[src] * w * deg_inv_sqrt[dst]
    xw = x @ W
    msg = xw[src] * norm[:, None]
    out = jnp.zeros((n, W.shape[1]), dtype=x.dtype).at[dst].add(msg)
    return out + b


def _l2_normalize(x, eps=1e-12):
    # F.normalize(x, dim=-1, p=2)
    nrm = jnp.sqrt(jnp.sum(x * x, axis=-1, keepdims=True))
    return x / jnp.maximum(nrm, eps)


def reference(x, edge_index, W, b):
    h = _gcn_conv(x, edge_index, W, b).astype(jnp.float32)
    h = _l2_normalize(h)
    return h


if False:  # reference __main__ guard neutralized (emitter)
    inp = setup_inputs()
    out = reference(**inp)
    print(out.shape, out.dtype)

if __name__ == "__main__":
    import jax
    _d = setup_inputs()
    print(jax.jit(kernel)(*tuple(_d.values())))

</pallas_src>

<mosaic_0001>
#map = affine_map<(d0, d1) -> (0, 0, 0)>
module attributes {stable_mosaic.version = 14 : i64} {
  func.func @_sc_deg_body(%arg0: i32, %arg1: i32, %arg2: memref<32x80x128xi32, #tpu.memory_space<hbm>>, %arg3: memref<2x10240x16xf32, #tpu.memory_space<hbm>>, %arg4: memref<10240x16xf32, #tpu.memory_space<vmem_shared>>, %arg5: memref<80x128xi32, #tpu.memory_space<vmem>>, %arg6: memref<128x16xf32, #tpu.memory_space<vmem>>, %arg7: memref<128x16xf32, #tpu.memory_space<vmem>>) attributes {dimension_semantics = [#tpu.dimension_semantics<core_parallel>, #tpu.dimension_semantics<subcore_parallel>], iteration_bounds = array<i64: 2, 16>, scalar_prefetch = 0 : i64, scratch_operands = 4 : i64, tpu.core_type = #tpu.core_type<sc_vector_subcore>, window_params = [{transform_indices = #map}, {transform_indices = #map}]} {
    %mul3A = arith.constant 16 : i32
    %mul3A_0 = arith.muli %arg0, %mul3A : i32
    %add3A = arith.addi %mul3A_0, %arg1 : i32
    %mul3A_1 = arith.constant 640 : i32
    %mul3A_2 = arith.muli %arg1, %mul3A_1 : i32
    %scan3A = arith.constant 0 : i32
    %scan3A_3 = arith.constant 128 : i32
    %scan3A_4 = arith.addi %scan3A, %scan3A_3 : i32
    %scan3A_5 = arith.constant 1 : i32
    scf.for %scan3A_43 = %scan3A to %scan3A_4 step %scan3A_5  : i32 {
      %mul3A_44 = arith.constant 1 : i32
      %mul3A_45 = arith.muli %scan3A_43, %mul3A_44 : i32
      %add3A_46 = arith.constant 0 : i32
      %add3A_47 = arith.addi %add3A_46, %mul3A_45 : i32
      %broadcast_in_dim3A = arith.constant 1.000000e+00 : f32
      %broadcast_in_dim3A_48 = vector.broadcast %broadcast_in_dim3A : f32 to vector<16xf32>
      %swap3A = arith.index_cast %add3A_47 : i32 to index
      %swap3A_49 = arith.constant 0 : index
      %swap3A_50 = tpu.vector_load %arg6[%swap3A, %swap3A_49] {strides = array<i32>} : memref<128x16xf32, #tpu.memory_space<vmem>>, vector<1x16xf32>,
      %swap3A_51 = vector.shape_cast %swap3A_50 : vector<1x16xf32> to vector<16xf32>
      %swap3A_52 = vector.shape_cast %broadcast_in_dim3A_48 : vector<16xf32> to vector<1x16xf32>
      tpu.vector_store %arg6[%swap3A, %swap3A_49], %swap3A_52 {strides = array<i32>} : memref<128x16xf32, #tpu.memory_space<vmem>>, vector<1x16xf32>,
      %broadcast_in_dim3A_53 = arith.constant 0.000000e+00 : f32
      %broadcast_in_dim3A_54 = vector.broadcast %broadcast_in_dim3A_53 : f32 to vector<16xf32>
      %swap3A_55 = arith.index_cast %add3A_47 : i32 to index
      %swap3A_56 = arith.constant 0 : index
      %swap3A_57 = tpu.vector_load %arg7[%swap3A_55, %swap3A_56] {strides = array<i32>} : memref<128x16xf32, #tpu.memory_space<vmem>>, vector<1x16xf32>,
      %swap3A_58 = vector.shape_cast %swap3A_57 : vector<1x16xf32> to vector<16xf32>
      %swap3A_59 = vector.shape_cast %broadcast_in_dim3A_54 : vector<16xf32> to vector<1x16xf32>
      tpu.vector_store %arg7[%swap3A_55, %swap3A_56], %swap3A_59 {strides = array<i32>} : memref<128x16xf32, #tpu.memory_space<vmem>>, vector<1x16xf32>,
    }
    %scan3A_6 = arith.constant 128 : i32
    %add3A_7 = arith.constant 0 : i32
    %add3A_8 = arith.addi %mul3A_2, %add3A_7 : i32
    "tpu.region"() ({
      %run_scoped3A = tpu.sem_alloc : memref<!tpu.dma_semaphore, #tpu.memory_space<semaphore_mem>>
      %dma_start3A = arith.constant 0 : i32
      %dma_start3A_43 = arith.constant 0 : i32
      %dma_start3A_44 = tpu.memref_slice %arg7[%dma_start3A, %dma_start3A_43] : memref<128x16xf32, #tpu.memory_space<vmem>> -> memref<128x16xf32, #tpu.memory_space<vmem>>
      %dma_start3A_45 = arith.constant 0 : i32
      %dma_start3A_46 = tpu.memref_slice %arg4[%add3A_8, %dma_start3A_45] : memref<10240x16xf32, #tpu.memory_space<vmem_shared>> -> memref<128x16xf32, #tpu.memory_space<vmem_shared>>
      %dma_start3A_47 = arith.constant 0 : i32
      %dma_start3A_48 = tpu.memref_slice %arg4[%add3A_8, %dma_start3A_47] : memref<10240x16xf32, #tpu.memory_space<vmem_shared>> -> memref<128x16xf32, #tpu.memory_space<vmem_shared>>
      %dma_start3A_49 = arith.constant 0 : i32
      %dma_start3A_50 = arith.constant 0 : i32
      %dma_start3A_51 = tpu.memref_slice %arg7[%dma_start3A_49, %dma_start3A_50] : memref<128x16xf32, #tpu.memory_space<vmem>> -> memref<128x16xf32, #tpu.memory_space<vmem>>
      tpu.enqueue_dma source(%dma_start3A_51 : memref<128x16xf32, #tpu.memory_space<vmem>>) target(%dma_start3A_48 : memref<128x16xf32, #tpu.memory_space<vmem_shared>>) target_semaphore(%run_scoped3A : memref<!tpu.dma_semaphore, #tpu.memory_space<semaphore_mem>>)
      %dma_wait3A = arith.constant 0 : i32
      %dma_wait3A_52 = arith.constant 0 : i32
      %dma_wait3A_53 = tpu.memref_slice %arg7[%dma_wait3A, %dma_wait3A_52] : memref<128x16xf32, #tpu.memory_space<vmem>> -> memref<128x16xf32, #tpu.memory_space<vmem>>
      %dma_wait3A_54 = arith.constant 0 : i32
      %dma_wait3A_55 = tpu.memref_slice %arg4[%add3A_8, %dma_wait3A_54] : memref<10240x16xf32, #tpu.memory_space<vmem_shared>> -> memref<128x16xf32, #tpu.memory_space<vmem_shared>>
      %dma_wait3A_56 = arith.constant 0 : i32
      %dma_wait3A_57 = tpu.memref_slice %arg4[%add3A_8, %dma_wait3A_56] : memref<10240x16xf32, #tpu.memory_space<vmem_shared>> -> memref<128x16xf32, #tpu.memory_space<vmem_shared>>
      %dma_wait3A_58 = arith.constant 0 : i32
      %dma_wait3A_59 = arith.constant 0 : i32
      %dma_wait3A_60 = tpu.memref_slice %arg7[%dma_wait3A_58, %dma_wait3A_59] : memref<128x16xf32, #tpu.memory_space<vmem>> -> memref<128x16xf32, #tpu.memory_space<vmem>>
      tpu.wait_dma2 semaphore(%run_scoped3A : memref<!tpu.dma_semaphore, #tpu.memory_space<semaphore_mem>>) src(%dma_wait3A_60 : memref<128x16xf32, #tpu.memory_space<vmem>>) dst(%dma_wait3A_57 : memref<128x16xf32, #tpu.memory_space<vmem_shared>>)
      tpu.yield
    }) : () -> ()
    %add3A_9 = arith.constant 128 : i32
    %add3A_10 = arith.addi %mul3A_2, %add3A_9 : i32
    "tpu.region"() ({
      %run_scoped3A = tpu.sem_alloc : memref<!tpu.dma_semaphore, #tpu.memory_space<semaphore_mem>>
      %dma_start3A = arith.constant 0 : i32
      %dma_start3A_43 = arith.constant 0 : i32
      %dma_start3A_44 = tpu.memref_slice %arg7[%dma_start3A, %dma_start3A_43] : memref<128x16xf32, #tpu.memory_space<vmem>> -> memref<128x16xf32, #tpu.memory_space<vmem>>
      %dma_start3A_45 = arith.constant 0 : i32
      %dma_start3A_46 = tpu.memref_slice %arg4[%add3A_10, %dma_start3A_45] : memref<10240x16xf32, #tpu.memory_space<vmem_shared>> -> memref<128x16xf32, #tpu.memory_space<vmem_shared>>
      %dma_start3A_47 = arith.constant 0 : i32
      %dma_start3A_48 = tpu.memref_slice %arg4[%add3A_10, %dma_start3A_47] : memref<10240x16xf32, #tpu.memory_space<vmem_shared>> -> memref<128x16xf32, #tpu.memory_space<vmem_shared>>
      %dma_start3A_49 = arith.constant 0 : i32
      %dma_start3A_50 = arith.constant 0 : i32
      %dma_start3A_51 = tpu.memref_slice %arg7[%dma_start3A_49, %dma_start3A_50] : memref<128x16xf32, #tpu.memory_space<vmem>> -> memref<128x16xf32, #tpu.memory_space<vmem>>
      tpu.enqueue_dma source(%dma_start3A_51 : memref<128x16xf32, #tpu.memory_space<vmem>>) target(%dma_start3A_48 : memref<128x16xf32, #tpu.memory_space<vmem_shared>>) target_semaphore(%run_scoped3A : memref<!tpu.dma_semaphore, #tpu.memory_space<semaphore_mem>>)
      %dma_wait3A = arith.constant 0 : i32
      %dma_wait3A_52 = arith.constant 0 : i32
      %dma_wait3A_53 = tpu.memref_slice %arg7[%dma_wait3A, %dma_wait3A_52] : memref<128x16xf32, #tpu.memory_space<vmem>> -> memref<128x16xf32, #tpu.memory_space<vmem>>
      %dma_wait3A_54 = arith.constant 0 : i32
      %dma_wait3A_55 = tpu.memref_slice %arg4[%add3A_10, %dma_wait3A_54] : memref<10240x16xf32, #tpu.memory_space<vmem_shared>> -> memref<128x16xf32, #tpu.memory_space<vmem_shared>>
      %dma_wait3A_56 = arith.constant 0 : i32
      %dma_wait3A_57 = tpu.memref_slice %arg4[%add3A_10, %dma_wait3A_56] : memref<10240x16xf32, #tpu.memory_space<vmem_shared>> -> memref<128x16xf32, #tpu.memory_space<vmem_shared>>
      %dma_wait3A_58 = arith.constant 0 : i32
      %dma_wait3A_59 = arith.constant 0 : i32
      %dma_wait3A_60 = tpu.memref_slice %arg7[%dma_wait3A_58, %dma_wait3A_59] : memref<128x16xf32, #tpu.memory_space<vmem>> -> memref<128x16xf32, #tpu.memory_space<vmem>>
      tpu.wait_dma2 semaphore(%run_scoped3A : memref<!tpu.dma_semaphore, #tpu.memory_space<semaphore_mem>>) src(%dma_wait3A_60 : memref<128x16xf32, #tpu.memory_space<vmem>>) dst(%dma_wait3A_57 : memref<128x16xf32, #tpu.memory_space<vmem_shared>>)
      tpu.yield
    }) : () -> ()
    %add3A_11 = arith.constant 256 : i32
    %add3A_12 = arith.addi %mul3A_2, %add3A_11 : i32
    "tpu.region"() ({
      %run_scoped3A = tpu.sem_alloc : memref<!tpu.dma_semaphore, #tpu.memory_space<semaphore_mem>>
      %dma_start3A = arith.constant 0 : i32
      %dma_start3A_43 = arith.constant 0 : i32
      %dma_start3A_44 = tpu.memref_slice %arg7[%dma_start3A, %dma_start3A_43] : memref<128x16xf32, #tpu.memory_space<vmem>> -> memref<128x16xf32, #tpu.memory_space<vmem>>
      %dma_start3A_45 = arith.constant 0 : i32
      %dma_start3A_46 = tpu.memref_slice %arg4[%add3A_12, %dma_start3A_45] : memref<10240x16xf32, #tpu.memory_space<vmem_shared>> -> memref<128x16xf32, #tpu.memory_space<vmem_shared>>
      %dma_start3A_47 = arith.constant 0 : i32
      %dma_start3A_48 = tpu.memref_slice %arg4[%add3A_12, %dma_start3A_47] : memref<10240x16xf32, #tpu.memory_space<vmem_shared>> -> memref<128x16xf32, #tpu.memory_space<vmem_shared>>
      %dma_start3A_49 = arith.constant 0 : i32
      %dma_start3A_50 = arith.constant 0 : i32
      %dma_start3A_51 = tpu.memref_slice %arg7[%dma_start3A_49, %dma_start3A_50] : memref<128x16xf32, #tpu.memory_space<vmem>> -> memref<128x16xf32, #tpu.memory_space<vmem>>
      tpu.enqueue_dma source(%dma_start3A_51 : memref<128x16xf32, #tpu.memory_space<vmem>>) target(%dma_start3A_48 : memref<128x16xf32, #tpu.memory_space<vmem_shared>>) target_semaphore(%run_scoped3A : memref<!tpu.dma_semaphore, #tpu.memory_space<semaphore_mem>>)
      %dma_wait3A = arith.constant 0 : i32
      %dma_wait3A_52 = arith.constant 0 : i32
      %dma_wait3A_53 = tpu.memref_slice %arg7[%dma_wait3A, %dma_wait3A_52] : memref<128x16xf32, #tpu.memory_space<vmem>> -> memref<128x16xf32, #tpu.memory_space<vmem>>
      %dma_wait3A_54 = arith.constant 0 : i32
      %dma_wait3A_55 = tpu.memref_slice %arg4[%add3A_12, %dma_wait3A_54] : memref<10240x16xf32, #tpu.memory_space<vmem_shared>> -> memref<128x16xf32, #tpu.memory_space<vmem_shared>>
      %dma_wait3A_56 = arith.constant 0 : i32
      %dma_wait3A_57 = tpu.memref_slice %arg4[%add3A_12, %dma_wait3A_56] : memref<10240x16xf32, #tpu.memory_space<vmem_shared>> -> memref<128x16xf32, #tpu.memory_space<vmem_shared>>
      %dma_wait3A_58 = arith.constant 0 : i32
      %dma_wait3A_59 = arith.constant 0 : i32
      %dma_wait3A_60 = tpu.memref_slice %arg7[%dma_wait3A_58, %dma_wait3A_59] : memref<128x16xf32, #tpu.memory_space<vmem>> -> memref<128x16xf32, #tpu.memory_space<vmem>>
      tpu.wait_dma2 semaphore(%run_scoped3A : memref<!tpu.dma_semaphore, #tpu.memory_space<semaphore_mem>>) src(%dma_wait3A_60 : memref<128x16xf32, #tpu.memory_space<vmem>>) dst(%dma_wait3A_57 : memref<128x16xf32, #tpu.memory_space<vmem_shared>>)
      tpu.yield
    }) : () -> ()
    %add3A_13 = arith.constant 384 : i32
    %add3A_14 = arith.addi %mul3A_2, %add3A_13 : i32
    "tpu.region"() ({
      %run_scoped3A = tpu.sem_alloc : memref<!tpu.dma_semaphore, #tpu.memory_space<semaphore_mem>>
      %dma_start3A = arith.constant 0 : i32
      %dma_start3A_43 = arith.constant 0 : i32
      %dma_start3A_44 = tpu.memref_slice %arg7[%dma_start3A, %dma_start3A_43] : memref<128x16xf32, #tpu.memory_space<vmem>> -> memref<128x16xf32, #tpu.memory_space<vmem>>
      %dma_start3A_45 = arith.constant 0 : i32
      %dma_start3A_46 = tpu.memref_slice %arg4[%add3A_14, %dma_start3A_45] : memref<10240x16xf32, #tpu.memory_space<vmem_shared>> -> memref<128x16xf32, #tpu.memory_space<vmem_shared>>
      %dma_start3A_47 = arith.constant 0 : i32
      %dma_start3A_48 = tpu.memref_slice %arg4[%add3A_14, %dma_start3A_47] : memref<10240x16xf32, #tpu.memory_space<vmem_shared>> -> memref<128x16xf32, #tpu.memory_space<vmem_shared>>
      %dma_start3A_49 = arith.constant 0 : i32
      %dma_start3A_50 = arith.constant 0 : i32
      %dma_start3A_51 = tpu.memref_slice %arg7[%dma_start3A_49, %dma_start3A_50] : memref<128x16xf32, #tpu.memory_space<vmem>> -> memref<128x16xf32, #tpu.memory_space<vmem>>
      tpu.enqueue_dma source(%dma_start3A_51 : memref<128x16xf32, #tpu.memory_space<vmem>>) target(%dma_start3A_48 : memref<128x16xf32, #tpu.memory_space<vmem_shared>>) target_semaphore(%run_scoped3A : memref<!tpu.dma_semaphore, #tpu.memory_space<semaphore_mem>>)
      %dma_wait3A = arith.constant 0 : i32
      %dma_wait3A_52 = arith.constant 0 : i32
      %dma_wait3A_53 = tpu.memref_slice %arg7[%dma_wait3A, %dma_wait3A_52] : memref<128x16xf32, #tpu.memory_space<vmem>> -> memref<128x16xf32, #tpu.memory_space<vmem>>
      %dma_wait3A_54 = arith.constant 0 : i32
      %dma_wait3A_55 = tpu.memref_slice %arg4[%add3A_14, %dma_wait3A_54] : memref<10240x16xf32, #tpu.memory_space<vmem_shared>> -> memref<128x16xf32, #tpu.memory_space<vmem_shared>>
      %dma_wait3A_56 = arith.constant 0 : i32
      %dma_wait3A_57 = tpu.memref_slice %arg4[%add3A_14, %dma_wait3A_56] : memref<10240x16xf32, #tpu.memory_space<vmem_shared>> -> memref<128x16xf32, #tpu.memory_space<vmem_shared>>
      %dma_wait3A_58 = arith.constant 0 : i32
      %dma_wait3A_59 = arith.constant 0 : i32
      %dma_wait3A_60 = tpu.memref_slice %arg7[%dma_wait3A_58, %dma_wait3A_59] : memref<128x16xf32, #tpu.memory_space<vmem>> -> memref<128x16xf32, #tpu.memory_space<vmem>>
      tpu.wait_dma2 semaphore(%run_scoped3A : memref<!tpu.dma_semaphore, #tpu.memory_space<semaphore_mem>>) src(%dma_wait3A_60 : memref<128x16xf32, #tpu.memory_space<vmem>>) dst(%dma_wait3A_57 : memref<128x16xf32, #tpu.memory_space<vmem_shared>>)
      tpu.yield
    }) : () -> ()
    %add3A_15 = arith.constant 512 : i32
    %add3A_16 = arith.addi %mul3A_2, %add3A_15 : i32
    "tpu.region"() ({
      %run_scoped3A = tpu.sem_alloc : memref<!tpu.dma_semaphore, #tpu.memory_space<semaphore_mem>>
      %dma_start3A = arith.constant 0 : i32
      %dma_start3A_43 = arith.constant 0 : i32
      %dma_start3A_44 = tpu.memref_slice %arg7[%dma_start3A, %dma_start3A_43] : memref<128x16xf32, #tpu.memory_space<vmem>> -> memref<128x16xf32, #tpu.memory_space<vmem>>
      %dma_start3A_45 = arith.constant 0 : i32
      %dma_start3A_46 = tpu.memref_slice %arg4[%add3A_16, %dma_start3A_45] : memref<10240x16xf32, #tpu.memory_space<vmem_shared>> -> memref<128x16xf32, #tpu.memory_space<vmem_shared>>
      %dma_start3A_47 = arith.constant 0 : i32
      %dma_start3A_48 = tpu.memref_slice %arg4[%add3A_16, %dma_start3A_47] : memref<10240x16xf32, #tpu.memory_space<vmem_shared>> -> memref<128x16xf32, #tpu.memory_space<vmem_shared>>
      %dma_start3A_49 = arith.constant 0 : i32
      %dma_start3A_50 = arith.constant 0 : i32
      %dma_start3A_51 = tpu.memref_slice %arg7[%dma_start3A_49, %dma_start3A_50] : memref<128x16xf32, #tpu.memory_space<vmem>> -> memref<128x16xf32, #tpu.memory_space<vmem>>
      tpu.enqueue_dma source(%dma_start3A_51 : memref<128x16xf32, #tpu.memory_space<vmem>>) target(%dma_start3A_48 : memref<128x16xf32, #tpu.memory_space<vmem_shared>>) target_semaphore(%run_scoped3A : memref<!tpu.dma_semaphore, #tpu.memory_space<semaphore_mem>>)
      %dma_wait3A = arith.constant 0 : i32
      %dma_wait3A_52 = arith.constant 0 : i32
      %dma_wait3A_53 = tpu.memref_slice %arg7[%dma_wait3A, %dma_wait3A_52] : memref<128x16xf32, #tpu.memory_space<vmem>> -> memref<128x16xf32, #tpu.memory_space<vmem>>
      %dma_wait3A_54 = arith.constant 0 : i32
      %dma_wait3A_55 = tpu.memref_slice %arg4[%add3A_16, %dma_wait3A_54] : memref<10240x16xf32, #tpu.memory_space<vmem_shared>> -> memref<128x16xf32, #tpu.memory_space<vmem_shared>>
      %dma_wait3A_56 = arith.constant 0 : i32
      %dma_wait3A_57 = tpu.memref_slice %arg4[%add3A_16, %dma_wait3A_56] : memref<10240x16xf32, #tpu.memory_space<vmem_shared>> -> memref<128x16xf32, #tpu.memory_space<vmem_shared>>
      %dma_wait3A_58 = arith.constant 0 : i32
      %dma_wait3A_59 = arith.constant 0 : i32
      %dma_wait3A_60 = tpu.memref_slice %arg7[%dma_wait3A_58, %dma_wait3A_59] : memref<128x16xf32, #tpu.memory_space<vmem>> -> memref<128x16xf32, #tpu.memory_space<vmem>>
      tpu.wait_dma2 semaphore(%run_scoped3A : memref<!tpu.dma_semaphore, #tpu.memory_space<semaphore_mem>>) src(%dma_wait3A_60 : memref<128x16xf32, #tpu.memory_space<vmem>>) dst(%dma_wait3A_57 : memref<128x16xf32, #tpu.memory_space<vmem_shared>>)
      tpu.yield
    }) : () -> ()
    "tpu.region"() ({
      %run_scoped3A = tpu.sem_alloc : memref<!tpu.dma_semaphore, #tpu.memory_space<semaphore_mem>>
      %dma_start3A = arith.constant 0 : i32
      %dma_start3A_43 = arith.constant 0 : i32
      %dma_start3A_44 = tpu.memref_slice %arg2[%add3A, %dma_start3A, %dma_start3A_43] : memref<32x80x128xi32, #tpu.memory_space<hbm>> -> memref<1x80x128xi32, #tpu.memory_space<hbm>>
      %dma_start3A_45 = tpu.memref_squeeze %dma_start3A_44 : memref<1x80x128xi32, #tpu.memory_space<hbm>> -> memref<80x128xi32, #tpu.memory_space<hbm>>
      %dma_start3A_46 = arith.constant 0 : i32
      %dma_start3A_47 = arith.constant 0 : i32
      %dma_start3A_48 = tpu.memref_slice %arg2[%add3A, %dma_start3A_46, %dma_start3A_47] : memref<32x80x128xi32, #tpu.memory_space<hbm>> -> memref<1x80x128xi32, #tpu.memory_space<hbm>>
      %dma_start3A_49 = tpu.memref_squeeze %dma_start3A_48 : memref<1x80x128xi32, #tpu.memory_space<hbm>> -> memref<80x128xi32, #tpu.memory_space<hbm>>
      tpu.enqueue_dma source(%dma_start3A_49 : memref<80x128xi32, #tpu.memory_space<hbm>>) target(%arg5 : memref<80x128xi32, #tpu.memory_space<vmem>>) target_semaphore(%run_scoped3A : memref<!tpu.dma_semaphore, #tpu.memory_space<semaphore_mem>>)
      %dma_wait3A = arith.constant 0 : i32
      %dma_wait3A_50 = arith.constant 0 : i32
      %dma_wait3A_51 = tpu.memref_slice %arg2[%add3A, %dma_wait3A, %dma_wait3A_50] : memref<32x80x128xi32, #tpu.memory_space<hbm>> -> memref<1x80x128xi32, #tpu.memory_space<hbm>>
      %dma_wait3A_52 = tpu.memref_squeeze %dma_wait3A_51 : memref<1x80x128xi32, #tpu.memory_space<hbm>> -> memref<80x128xi32, #tpu.memory_space<hbm>>
      %dma_wait3A_53 = arith.constant 0 : i32
      %dma_wait3A_54 = arith.constant 0 : i32
      %dma_wait3A_55 = tpu.memref_slice %arg2[%add3A, %dma_wait3A_53, %dma_wait3A_54] : memref<32x80x128xi32, #tpu.memory_space<hbm>> -> memref<1x80x128xi32, #tpu.memory_space<hbm>>
      %dma_wait3A_56 = tpu.memref_squeeze %dma_wait3A_55 : memref<1x80x128xi32, #tpu.memory_space<hbm>> -> memref<80x128xi32, #tpu.memory_space<hbm>>
      tpu.wait_dma2 semaphore(%run_scoped3A : memref<!tpu.dma_semaphore, #tpu.memory_space<semaphore_mem>>) src(%dma_wait3A_56 : memref<80x128xi32, #tpu.memory_space<hbm>>) dst(%arg5 : memref<80x128xi32, #tpu.memory_space<vmem>>)
      tpu.yield
    }) : () -> ()
    %barrier3A = arith.constant 0 : index
    tpu.barrier barrier_id(%barrier3A)
    %scan3A_17 = arith.constant 0 : i32
    %scan3A_18 = arith.constant 80 : i32
    %scan3A_19 = arith.addi %scan3A_17, %scan3A_18 : i32
    %scan3A_20 = arith.constant 1 : i32
    scf.for %scan3A_43 = %scan3A_17 to %scan3A_19 step %scan3A_20  : i32 {
      %mul3A_44 = arith.constant 1 : i32
      %mul3A_45 = arith.muli %scan3A_43, %mul3A_44 : i32
      %add3A_46 = arith.constant 0 : i32
      %add3A_47 = arith.addi %add3A_46, %mul3A_45 : i32
      "tpu.region"() ({
        %run_scoped3A = tpu.sem_alloc : memref<!tpu.dma_semaphore, #tpu.memory_space<semaphore_mem>>
        %dma_start3A = arith.constant 0 : i32
        %dma_start3A_48 = tpu.memref_slice %arg5[%add3A_47, %dma_start3A] : memref<80x128xi32, #tpu.memory_space<vmem>> -> memref<1x128xi32, #tpu.memory_space<vmem>>
        %dma_start3A_49 = tpu.memref_squeeze %dma_start3A_48 : memref<1x128xi32, #tpu.memory_space<vmem>> -> memref<128xi32, #tpu.memory_space<vmem>>
        %dma_start3A_50 = arith.constant 0 : i32
        %dma_start3A_51 = arith.constant 0 : i32
        %dma_start3A_52 = tpu.memref_slice %arg4[%dma_start3A_50, %dma_start3A_51] : memref<10240x16xf32, #tpu.memory_space<vmem_shared>> -> memref<10240x16xf32, #tpu.memory_space<vmem_shared>>
        tpu.enqueue_indirect_dma source(%arg6 : memref<128x16xf32, #tpu.memory_space<vmem>>) target(%dma_start3A_52 : memref<10240x16xf32, #tpu.memory_space<vmem_shared>>) offsets(%dma_start3A_49 : memref<128xi32, #tpu.memory_space<vmem>>) semaphore(%run_scoped3A : memref<!tpu.dma_semaphore, #tpu.memory_space<semaphore_mem>>) {add = true}
        %dma_wait3A = arith.constant 0 : i32
        %dma_wait3A_53 = tpu.memref_slice %arg5[%add3A_47, %dma_wait3A] : memref<80x128xi32, #tpu.memory_space<vmem>> -> memref<1x128xi32, #tpu.memory_space<vmem>>
        %dma_wait3A_54 = tpu.memref_squeeze %dma_wait3A_53 : memref<1x128xi32, #tpu.memory_space<vmem>> -> memref<128xi32, #tpu.memory_space<vmem>>
        %dma_wait3A_55 = arith.constant 0 : i32
        %dma_wait3A_56 = arith.constant 0 : i32
        %dma_wait3A_57 = tpu.memref_slice %arg4[%dma_wait3A_55, %dma_wait3A_56] : memref<10240x16xf32, #tpu.memory_space<vmem_shared>> -> memref<10240x16xf32, #tpu.memory_space<vmem_shared>>
        tpu.wait_indirect_dma semaphore(%run_scoped3A : memref<!tpu.dma_semaphore, #tpu.memory_space<semaphore_mem>>) src(%arg6 : memref<128x16xf32, #tpu.memory_space<vmem>>) dst(%dma_wait3A_57 : memref<10240x16xf32, #tpu.memory_space<vmem_shared>>)
        tpu.yield
      }) : () -> ()
    }
    %scan3A_21 = arith.constant 80 : i32
    %barrier3A_22 = arith.constant 0 : index
    tpu.barrier barrier_id(%barrier3A_22)
    %add3A_23 = arith.constant 0 : i32
    %add3A_24 = arith.addi %mul3A_2, %add3A_23 : i32
    "tpu.region"() ({
      %run_scoped3A = tpu.sem_alloc : memref<!tpu.dma_semaphore, #tpu.memory_space<semaphore_mem>>
      %dma_start3A = arith.constant 0 : i32
      %dma_start3A_43 = arith.constant 0 : i32
      %dma_start3A_44 = tpu.memref_slice %arg7[%dma_start3A, %dma_start3A_43] : memref<128x16xf32, #tpu.memory_space<vmem>> -> memref<128x16xf32, #tpu.memory_space<vmem>>
      %dma_start3A_45 = arith.constant 0 : i32
      %dma_start3A_46 = tpu.memref_slice %arg4[%add3A_24, %dma_start3A_45] : memref<10240x16xf32, #tpu.memory_space<vmem_shared>> -> memref<128x16xf32, #tpu.memory_space<vmem_shared>>
      %dma_start3A_47 = arith.constant 0 : i32
      %dma_start3A_48 = arith.constant 0 : i32
      %dma_start3A_49 = tpu.memref_slice %arg7[%dma_start3A_47, %dma_start3A_48] : memref<128x16xf32, #tpu.memory_space<vmem>> -> memref<128x16xf32, #tpu.memory_space<vmem>>
      %dma_start3A_50 = arith.constant 0 : i32
      %dma_start3A_51 = tpu.memref_slice %arg4[%add3A_24, %dma_start3A_50] : memref<10240x16xf32, #tpu.memory_space<vmem_shared>> -> memref<128x16xf32, #tpu.memory_space<vmem_shared>>
      tpu.enqueue_dma source(%dma_start3A_51 : memref<128x16xf32, #tpu.memory_space<vmem_shared>>) target(%dma_start3A_49 : memref<128x16xf32, #tpu.memory_space<vmem>>) target_semaphore(%run_scoped3A : memref<!tpu.dma_semaphore, #tpu.memory_space<semaphore_mem>>)
      %dma_wait3A = arith.constant 0 : i32
      %dma_wait3A_52 = arith.constant 0 : i32
      %dma_wait3A_53 = tpu.memref_slice %arg7[%dma_wait3A, %dma_wait3A_52] : memref<128x16xf32, #tpu.memory_space<vmem>> -> memref<128x16xf32, #tpu.memory_space<vmem>>
      %dma_wait3A_54 = arith.constant 0 : i32
      %dma_wait3A_55 = tpu.memref_slice %arg4[%add3A_24, %dma_wait3A_54] : memref<10240x16xf32, #tpu.memory_space<vmem_shared>> -> memref<128x16xf32, #tpu.memory_space<vmem_shared>>
      %dma_wait3A_56 = arith.constant 0 : i32
      %dma_wait3A_57 = arith.constant 0 : i32
      %dma_wait3A_58 = tpu.memref_slice %arg7[%dma_wait3A_56, %dma_wait3A_57] : memref<128x16xf32, #tpu.memory_space<vmem>> -> memref<128x16xf32, #tpu.memory_space<vmem>>
      %dma_wait3A_59 = arith.constant 0 : i32
      %dma_wait3A_60 = tpu.memref_slice %arg4[%add3A_24, %dma_wait3A_59] : memref<10240x16xf32, #tpu.memory_space<vmem_shared>> -> memref<128x16xf32, #tpu.memory_space<vmem_shared>>
      tpu.wait_dma2 semaphore(%run_scoped3A : memref<!tpu.dma_semaphore, #tpu.memory_space<semaphore_mem>>) src(%dma_wait3A_60 : memref<128x16xf32, #tpu.memory_space<vmem_shared>>) dst(%dma_wait3A_58 : memref<128x16xf32, #tpu.memory_space<vmem>>)
      tpu.yield
    }) : () -> ()
    %add3A_25 = arith.constant 0 : i32
    %add3A_26 = arith.addi %mul3A_2, %add3A_25 : i32
    "tpu.region"() ({
      %run_scoped3A = tpu.sem_alloc : memref<!tpu.dma_semaphore, #tpu.memory_space<semaphore_mem>>
      %dma_start3A = arith.constant 0 : i32
      %dma_start3A_43 = arith.constant 0 : i32
      %dma_start3A_44 = tpu.memref_slice %arg7[%dma_start3A, %dma_start3A_43] : memref<128x16xf32, #tpu.memory_space<vmem>> -> memref<128x16xf32, #tpu.memory_space<vmem>>
      %dma_start3A_45 = arith.constant 0 : i32
      %dma_start3A_46 = tpu.memref_slice %arg3[%arg0, %add3A_26, %dma_start3A_45] : memref<2x10240x16xf32, #tpu.memory_space<hbm>> -> memref<1x128x16xf32, #tpu.memory_space<hbm>>
      %dma_start3A_47 = tpu.memref_squeeze %dma_start3A_46 : memref<1x128x16xf32, #tpu.memory_space<hbm>> -> memref<128x16xf32, #tpu.memory_space<hbm>>
      %dma_start3A_48 = arith.constant 0 : i32
      %dma_start3A_49 = tpu.memref_slice %arg3[%arg0, %add3A_26, %dma_start3A_48] : memref<2x10240x16xf32, #tpu.memory_space<hbm>> -> memref<1x128x16xf32, #tpu.memory_space<hbm>>
      %dma_start3A_50 = tpu.memref_squeeze %dma_start3A_49 : memref<1x128x16xf32, #tpu.memory_space<hbm>> -> memref<128x16xf32, #tpu.memory_space<hbm>>
      %dma_start3A_51 = arith.constant 0 : i32
      %dma_start3A_52 = arith.constant 0 : i32
      %dma_start3A_53 = tpu.memref_slice %arg7[%dma_start3A_51, %dma_start3A_52] : memref<128x16xf32, #tpu.memory_space<vmem>> -> memref<128x16xf32, #tpu.memory_space<vmem>>
      tpu.enqueue_dma source(%dma_start3A_53 : memref<128x16xf32, #tpu.memory_space<vmem>>) target(%dma_start3A_50 : memref<128x16xf32, #tpu.memory_space<hbm>>) target_semaphore(%run_scoped3A : memref<!tpu.dma_semaphore, #tpu.memory_space<semaphore_mem>>)
      %dma_wait3A = arith.constant 0 : i32
      %dma_wait3A_54 = arith.constant 0 : i32
      %dma_wait3A_55 = tpu.memref_slice %arg7[%dma_wait3A, %dma_wait3A_54] : memref<128x16xf32, #tpu.memory_space<vmem>> -> memref<128x16xf32, #tpu.memory_space<vmem>>
      %dma_wait3A_56 = arith.constant 0 : i32
      %dma_wait3A_57 = tpu.memref_slice %arg3[%arg0, %add3A_26, %dma_wait3A_56] : memref<2x10240x16xf32, #tpu.memory_space<hbm>> -> memref<1x128x16xf32, #tpu.memory_space<hbm>>
      %dma_wait3A_58 = tpu.memref_squeeze %dma_wait3A_57 : memref<1x128x16xf32, #tpu.memory_space<hbm>> -> memref<128x16xf32, #tpu.memory_space<hbm>>
      %dma_wait3A_59 = arith.constant 0 : i32
      %dma_wait3A_60 = tpu.memref_slice %arg3[%arg0, %add3A_26, %dma_wait3A_59] : memref<2x10240x16xf32, #tpu.memory_space<hbm>> -> memref<1x128x16xf32, #tpu.memory_space<hbm>>
      %dma_wait3A_61 = tpu.memref_squeeze %dma_wait3A_60 : memref<1x128x16xf32, #tpu.memory_space<hbm>> -> memref<128x16xf32, #tpu.memory_space<hbm>>
      %dma_wait3A_62 = arith.constant 0 : i32
      %dma_wait3A_63 = arith.constant 0 : i32
      %dma_wait3A_64 = tpu.memref_slice %arg7[%dma_wait3A_62, %dma_wait3A_63] : memref<128x16xf32, #tpu.memory_space<vmem>> -> memref<128x16xf32, #tpu.memory_space<vmem>>
      tpu.wait_dma2 semaphore(%run_scoped3A : memref<!tpu.dma_semaphore, #tpu.memory_space<semaphore_mem>>) src(%dma_wait3A_64 : memref<128x16xf32, #tpu.memory_space<vmem>>) dst(%dma_wait3A_61 : memref<128x16xf32, #tpu.memory_space<hbm>>)
      tpu.yield
    }) : () -> ()
    %add3A_27 = arith.constant 128 : i32
    %add3A_28 = arith.addi %mul3A_2, %add3A_27 : i32
    "tpu.region"() ({
      %run_scoped3A = tpu.sem_alloc : memref<!tpu.dma_semaphore, #tpu.memory_space<semaphore_mem>>
      %dma_start3A = arith.constant 0 : i32
      %dma_start3A_43 = arith.constant 0 : i32
      %dma_start3A_44 = tpu.memref_slice %arg7[%dma_start3A, %dma_start3A_43] : memref<128x16xf32, #tpu.memory_space<vmem>> -> memref<128x16xf32, #tpu.memory_space<vmem>>
      %dma_start3A_45 = arith.constant 0 : i32
      %dma_start3A_46 = tpu.memref_slice %arg4[%add3A_28, %dma_start3A_45] : memref<10240x16xf32, #tpu.memory_space<vmem_shared>> -> memref<128x16xf32, #tpu.memory_space<vmem_shared>>
      %dma_start3A_47 = arith.constant 0 : i32
      %dma_start3A_48 = arith.constant 0 : i32
      %dma_start3A_49 = tpu.memref_slice %arg7[%dma_start3A_47, %dma_start3A_48] : memref<128x16xf32, #tpu.memory_space<vmem>> -> memref<128x16xf32, #tpu.memory_space<vmem>>
      %dma_start3A_50 = arith.constant 0 : i32
      %dma_start3A_51 = tpu.memref_slice %arg4[%add3A_28, %dma_start3A_50] : memref<10240x16xf32, #tpu.memory_space<vmem_shared>> -> memref<128x16xf32, #tpu.memory_space<vmem_shared>>
      tpu.enqueue_dma source(%dma_start3A_51 : memref<128x16xf32, #tpu.memory_space<vmem_shared>>) target(%dma_start3A_49 : memref<128x16xf32, #tpu.memory_space<vmem>>) target_semaphore(%run_scoped3A : memref<!tpu.dma_semaphore, #tpu.memory_space<semaphore_mem>>)
      %dma_wait3A = arith.constant 0 : i32
      %dma_wait3A_52 = arith.constant 0 : i32
      %dma_wait3A_53 = tpu.memref_slice %arg7[%dma_wait3A, %dma_wait3A_52] : memref<128x16xf32, #tpu.memory_space<vmem>> -> memref<128x16xf32, #tpu.memory_space<vmem>>
      %dma_wait3A_54 = arith.constant 0 : i32
      %dma_wait3A_55 = tpu.memref_slice %arg4[%add3A_28, %dma_wait3A_54] : memref<10240x16xf32, #tpu.memory_space<vmem_shared>> -> memref<128x16xf32, #tpu.memory_space<vmem_shared>>
      %dma_wait3A_56 = arith.constant 0 : i32
      %dma_wait3A_57 = arith.constant 0 : i32
      %dma_wait3A_58 = tpu.memref_slice %arg7[%dma_wait3A_56, %dma_wait3A_57] : memref<128x16xf32, #tpu.memory_space<vmem>> -> memref<128x16xf32, #tpu.memory_space<vmem>>
      %dma_wait3A_59 = arith.constant 0 : i32
      %dma_wait3A_60 = tpu.memref_slice %arg4[%add3A_28, %dma_wait3A_59] : memref<10240x16xf32, #tpu.memory_space<vmem_shared>> -> memref<128x16xf32, #tpu.memory_space<vmem_shared>>
      tpu.wait_dma2 semaphore(%run_scoped3A : memref<!tpu.dma_semaphore, #tpu.memory_space<semaphore_mem>>) src(%dma_wait3A_60 : memref<128x16xf32, #tpu.memory_space<vmem_shared>>) dst(%dma_wait3A_58 : memref<128x16xf32, #tpu.memory_space<vmem>>)
      tpu.yield
    }) : () -> ()
    %add3A_29 = arith.constant 128 : i32
    %add3A_30 = arith.addi %mul3A_2, %add3A_29 : i32
    "tpu.region"() ({
      %run_scoped3A = tpu.sem_alloc : memref<!tpu.dma_semaphore, #tpu.memory_space<semaphore_mem>>
      %dma_start3A = arith.constant 0 : i32
      %dma_start3A_43 = arith.constant 0 : i32
      %dma_start3A_44 = tpu.memref_slice %arg7[%dma_start3A, %dma_start3A_43] : memref<128x16xf32, #tpu.memory_space<vmem>> -> memref<128x16xf32, #tpu.memory_space<vmem>>
      %dma_start3A_45 = arith.constant 0 : i32
      %dma_start3A_46 = tpu.memref_slice %arg3[%arg0, %add3A_30, %dma_start3A_45] : memref<2x10240x16xf32, #tpu.memory_space<hbm>> -> memref<1x128x16xf32, #tpu.memory_space<hbm>>
      %dma_start3A_47 = tpu.memref_squeeze %dma_start3A_46 : memref<1x128x16xf32, #tpu.memory_space<hbm>> -> memref<128x16xf32, #tpu.memory_space<hbm>>
      %dma_start3A_48 = arith.constant 0 : i32
      %dma_start3A_49 = tpu.memref_slice %arg3[%arg0, %add3A_30, %dma_start3A_48] : memref<2x10240x16xf32, #tpu.memory_space<hbm>> -> memref<1x128x16xf32, #tpu.memory_space<hbm>>
      %dma_start3A_50 = tpu.memref_squeeze %dma_start3A_49 : memref<1x128x16xf32, #tpu.memory_space<hbm>> -> memref<128x16xf32, #tpu.memory_space<hbm>>
      %dma_start3A_51 = arith.constant 0 : i32
      %dma_start3A_52 = arith.constant 0 : i32
      %dma_start3A_53 = tpu.memref_slice %arg7[%dma_start3A_51, %dma_start3A_52] : memref<128x16xf32, #tpu.memory_space<vmem>> -> memref<128x16xf32, #tpu.memory_space<vmem>>
      tpu.enqueue_dma source(%dma_start3A_53 : memref<128x16xf32, #tpu.memory_space<vmem>>) target(%dma_start3A_50 : memref<128x16xf32, #tpu.memory_space<hbm>>) target_semaphore(%run_scoped3A : memref<!tpu.dma_semaphore, #tpu.memory_space<semaphore_mem>>)
      %dma_wait3A = arith.constant 0 : i32
      %dma_wait3A_54 = arith.constant 0 : i32
      %dma_wait3A_55 = tpu.memref_slice %arg7[%dma_wait3A, %dma_wait3A_54] : memref<128x16xf32, #tpu.memory_space<vmem>> -> memref<128x16xf32, #tpu.memory_space<vmem>>
      %dma_wait3A_56 = arith.constant 0 : i32
      %dma_wait3A_57 = tpu.memref_slice %arg3[%arg0, %add3A_30, %dma_wait3A_56] : memref<2x10240x16xf32, #tpu.memory_space<hbm>> -> memref<1x128x16xf32, #tpu.memory_space<hbm>>
      %dma_wait3A_58 = tpu.memref_squeeze %dma_wait3A_57 : memref<1x128x16xf32, #tpu.memory_space<hbm>> -> memref<128x16xf32, #tpu.memory_space<hbm>>
      %dma_wait3A_59 = arith.constant 0 : i32
      %dma_wait3A_60 = tpu.memref_slice %arg3[%arg0, %add3A_30, %dma_wait3A_59] : memref<2x10240x16xf32, #tpu.memory_space<hbm>> -> memref<1x128x16xf32, #tpu.memory_space<hbm>>
      %dma_wait3A_61 = tpu.memref_squeeze %dma_wait3A_60 : memref<1x128x16xf32, #tpu.memory_space<hbm>> -> memref<128x16xf32, #tpu.memory_space<hbm>>
      %dma_wait3A_62 = arith.constant 0 : i32
      %dma_wait3A_63 = arith.constant 0 : i32
      %dma_wait3A_64 = tpu.memref_slice %arg7[%dma_wait3A_62, %dma_wait3A_63] : memref<128x16xf32, #tpu.memory_space<vmem>> -> memref<128x16xf32, #tpu.memory_space<vmem>>
      tpu.wait_dma2 semaphore(%run_scoped3A : memref<!tpu.dma_semaphore, #tpu.memory_space<semaphore_mem>>) src(%dma_wait3A_64 : memref<128x16xf32, #tpu.memory_space<vmem>>) dst(%dma_wait3A_61 : memref<128x16xf32, #tpu.memory_space<hbm>>)
      tpu.yield
    }) : () -> ()
    %add3A_31 = arith.constant 256 : i32
    %add3A_32 = arith.addi %mul3A_2, %add3A_31 : i32
    "tpu.region"() ({
      %run_scoped3A = tpu.sem_alloc : memref<!tpu.dma_semaphore, #tpu.memory_space<semaphore_mem>>
      %dma_start3A = arith.constant 0 : i32
      %dma_start3A_43 = arith.constant 0 : i32
      %dma_start3A_44 = tpu.memref_slice %arg7[%dma_start3A, %dma_start3A_43] : memref<128x16xf32, #tpu.memory_space<vmem>> -> memref<128x16xf32, #tpu.memory_space<vmem>>
      %dma_start3A_45 = arith.constant 0 : i32
      %dma_start3A_46 = tpu.memref_slice %arg4[%add3A_32, %dma_start3A_45] : memref<10240x16xf32, #tpu.memory_space<vmem_shared>> -> memref<128x16xf32, #tpu.memory_space<vmem_shared>>
      %dma_start3A_47 = arith.constant 0 : i32
      %dma_start3A_48 = arith.constant 0 : i32
      %dma_start3A_49 = tpu.memref_slice %arg7[%dma_start3A_47, %dma_start3A_48] : memref<128x16xf32, #tpu.memory_space<vmem>> -> memref<128x16xf32, #tpu.memory_space<vmem>>
      %dma_start3A_50 = arith.constant 0 : i32
      %dma_start3A_51 = tpu.memref_slice %arg4[%add3A_32, %dma_start3A_50] : memref<10240x16xf32, #tpu.memory_space<vmem_shared>> -> memref<128x16xf32, #tpu.memory_space<vmem_shared>>
      tpu.enqueue_dma source(%dma_start3A_51 : memref<128x16xf32, #tpu.memory_space<vmem_shared>>) target(%dma_start3A_49 : memref<128x16xf32, #tpu.memory_space<vmem>>) target_semaphore(%run_scoped3A : memref<!tpu.dma_semaphore, #tpu.memory_space<semaphore_mem>>)
      %dma_wait3A = arith.constant 0 : i32
      %dma_wait3A_52 = arith.constant 0 : i32
      %dma_wait3A_53 = tpu.memref_slice %arg7[%dma_wait3A, %dma_wait3A_52] : memref<128x16xf32, #tpu.memory_space<vmem>> -> memref<128x16xf32, #tpu.memory_space<vmem>>
      %dma_wait3A_54 = arith.constant 0 : i32
      %dma_wait3A_55 = tpu.memref_slice %arg4[%add3A_32, %dma_wait3A_54] : memref<10240x16xf32, #tpu.memory_space<vmem_shared>> -> memref<128x16xf32, #tpu.memory_space<vmem_shared>>
      %dma_wait3A_56 = arith.constant 0 : i32
      %dma_wait3A_57 = arith.constant 0 : i32
      %dma_wait3A_58 = tpu.memref_slice %arg7[%dma_wait3A_56, %dma_wait3A_57] : memref<128x16xf32, #tpu.memory_space<vmem>> -> memref<128x16xf32, #tpu.memory_space<vmem>>
      %dma_wait3A_59 = arith.constant 0 : i32
      %dma_wait3A_60 = tpu.memref_slice %arg4[%add3A_32, %dma_wait3A_59] : memref<10240x16xf32, #tpu.memory_space<vmem_shared>> -> memref<128x16xf32, #tpu.memory_space<vmem_shared>>
      tpu.wait_dma2 semaphore(%run_scoped3A : memref<!tpu.dma_semaphore, #tpu.memory_space<semaphore_mem>>) src(%dma_wait3A_60 : memref<128x16xf32, #tpu.memory_space<vmem_shared>>) dst(%dma_wait3A_58 : memref<128x16xf32, #tpu.memory_space<vmem>>)
      tpu.yield
    }) : () -> ()
    %add3A_33 = arith.constant 256 : i32
    %add3A_34 = arith.addi %mul3A_2, %add3A_33 : i32
    "tpu.region"() ({
      %run_scoped3A = tpu.sem_alloc : memref<!tpu.dma_semaphore, #tpu.memory_space<semaphore_mem>>
      %dma_start3A = arith.constant 0 : i32
      %dma_start3A_43 = arith.constant 0 : i32
      %dma_start3A_44 = tpu.memref_slice %arg7[%dma_start3A, %dma_start3A_43] : memref<128x16xf32, #tpu.memory_space<vmem>> -> memref<128x16xf32, #tpu.memory_space<vmem>>
      %dma_start3A_45 = arith.constant 0 : i32
      %dma_start3A_46 = tpu.memref_slice %arg3[%arg0, %add3A_34, %dma_start3A_45] : memref<2x10240x16xf32, #tpu.memory_space<hbm>> -> memref<1x128x16xf32, #tpu.memory_space<hbm>>
      %dma_start3A_47 = tpu.memref_squeeze %dma_start3A_46 : memref<1x128x16xf32, #tpu.memory_space<hbm>> -> memref<128x16xf32, #tpu.memory_space<hbm>>
      %dma_start3A_48 = arith.constant 0 : i32
      %dma_start3A_49 = tpu.memref_slice %arg3[%arg0, %add3A_34, %dma_start3A_48] : memref<2x10240x16xf32, #tpu.memory_space<hbm>> -> memref<1x128x16xf32, #tpu.memory_space<hbm>>
      %dma_start3A_50 = tpu.memref_squeeze %dma_start3A_49 : memref<1x128x16xf32, #tpu.memory_space<hbm>> -> memref<128x16xf32, #tpu.memory_space<hbm>>
      %dma_start3A_51 = arith.constant 0 : i32
      %dma_start3A_52 = arith.constant 0 : i32
      %dma_start3A_53 = tpu.memref_slice %arg7[%dma_start3A_51, %dma_start3A_52] : memref<128x16xf32, #tpu.memory_space<vmem>> -> memref<128x16xf32, #tpu.memory_space<vmem>>
      tpu.enqueue_dma source(%dma_start3A_53 : memref<128x16xf32, #tpu.memory_space<vmem>>) target(%dma_start3A_50 : memref<128x16xf32, #tpu.memory_space<hbm>>) target_semaphore(%run_scoped3A : memref<!tpu.dma_semaphore, #tpu.memory_space<semaphore_mem>>)
      %dma_wait3A = arith.constant 0 : i32
      %dma_wait3A_54 = arith.constant 0 : i32
      %dma_wait3A_55 = tpu.memref_slice %arg7[%dma_wait3A, %dma_wait3A_54] : memref<128x16xf32, #tpu.memory_space<vmem>> -> memref<128x16xf32, #tpu.memory_space<vmem>>
      %dma_wait3A_56 = arith.constant 0 : i32
      %dma_wait3A_57 = tpu.memref_slice %arg3[%arg0, %add3A_34, %dma_wait3A_56] : memref<2x10240x16xf32, #tpu.memory_space<hbm>> -> memref<1x128x16xf32, #tpu.memory_space<hbm>>
      %dma_wait3A_58 = tpu.memref_squeeze %dma_wait3A_57 : memref<1x128x16xf32, #tpu.memory_space<hbm>> -> memref<128x16xf32, #tpu.memory_space<hbm>>
      %dma_wait3A_59 = arith.constant 0 : i32
      %dma_wait3A_60 = tpu.memref_slice %arg3[%arg0, %add3A_34, %dma_wait3A_59] : memref<2x10240x16xf32, #tpu.memory_space<hbm>> -> memref<1x128x16xf32, #tpu.memory_space<hbm>>
      %dma_wait3A_61 = tpu.memref_squeeze %dma_wait3A_60 : memref<1x128x16xf32, #tpu.memory_space<hbm>> -> memref<128x16xf32, #tpu.memory_space<hbm>>
      %dma_wait3A_62 = arith.constant 0 : i32
      %dma_wait3A_63 = arith.constant 0 : i32
      %dma_wait3A_64 = tpu.memref_slice %arg7[%dma_wait3A_62, %dma_wait3A_63] : memref<128x16xf32, #tpu.memory_space<vmem>> -> memref<128x16xf32, #tpu.memory_space<vmem>>
      tpu.wait_dma2 semaphore(%run_scoped3A : memref<!tpu.dma_semaphore, #tpu.memory_space<semaphore_mem>>) src(%dma_wait3A_64 : memref<128x16xf32, #tpu.memory_space<vmem>>) dst(%dma_wait3A_61 : memref<128x16xf32, #tpu.memory_space<hbm>>)
      tpu.yield
    }) : () -> ()
    %add3A_35 = arith.constant 384 : i32
    %add3A_36 = arith.addi %mul3A_2, %add3A_35 : i32
    "tpu.region"() ({
      %run_scoped3A = tpu.sem_alloc : memref<!tpu.dma_semaphore, #tpu.memory_space<semaphore_mem>>
      %dma_start3A = arith.constant 0 : i32
      %dma_start3A_43 = arith.constant 0 : i32
      %dma_start3A_44 = tpu.memref_slice %arg7[%dma_start3A, %dma_start3A_43] : memref<128x16xf32, #tpu.memory_space<vmem>> -> memref<128x16xf32, #tpu.memory_space<vmem>>
      %dma_start3A_45 = arith.constant 0 : i32
      %dma_start3A_46 = tpu.memref_slice %arg4[%add3A_36, %dma_start3A_45] : memref<10240x16xf32, #tpu.memory_space<vmem_shared>> -> memref<128x16xf32, #tpu.memory_space<vmem_shared>>
      %dma_start3A_47 = arith.constant 0 : i32
      %dma_start3A_48 = arith.constant 0 : i32
      %dma_start3A_49 = tpu.memref_slice %arg7[%dma_start3A_47, %dma_start3A_48] : memref<128x16xf32, #tpu.memory_space<vmem>> -> memref<128x16xf32, #tpu.memory_space<vmem>>
      %dma_start3A_50 = arith.constant 0 : i32
      %dma_start3A_51 = tpu.memref_slice %arg4[%add3A_36, %dma_start3A_50] : memref<10240x16xf32, #tpu.memory_space<vmem_shared>> -> memref<128x16xf32, #tpu.memory_space<vmem_shared>>
      tpu.enqueue_dma source(%dma_start3A_51 : memref<128x16xf32, #tpu.memory_space<vmem_shared>>) target(%dma_start3A_49 : memref<128x16xf32, #tpu.memory_space<vmem>>) target_semaphore(%run_scoped3A : memref<!tpu.dma_semaphore, #tpu.memory_space<semaphore_mem>>)
      %dma_wait3A = arith.constant 0 : i32
      %dma_wait3A_52 = arith.constant 0 : i32
      %dma_wait3A_53 = tpu.memref_slice %arg7[%dma_wait3A, %dma_wait3A_52] : memref<128x16xf32, #tpu.memory_space<vmem>> -> memref<128x16xf32, #tpu.memory_space<vmem>>
      %dma_wait3A_54 = arith.constant 0 : i32
      %dma_wait3A_55 = tpu.memref_slice %arg4[%add3A_36, %dma_wait3A_54] : memref<10240x16xf32, #tpu.memory_space<vmem_shared>> -> memref<128x16xf32, #tpu.memory_space<vmem_shared>>
      %dma_wait3A_56 = arith.constant 0 : i32
      %dma_wait3A_57 = arith.constant 0 : i32
      %dma_wait3A_58 = tpu.memref_slice %arg7[%dma_wait3A_56, %dma_wait3A_57] : memref<128x16xf32, #tpu.memory_space<vmem>> -> memref<128x16xf32, #tpu.memory_space<vmem>>
      %dma_wait3A_59 = arith.constant 0 : i32
      %dma_wait3A_60 = tpu.memref_slice %arg4[%add3A_36, %dma_wait3A_59] : memref<10240x16xf32, #tpu.memory_space<vmem_shared>> -> memref<128x16xf32, #tpu.memory_space<vmem_shared>>
      tpu.wait_dma2 semaphore(%run_scoped3A : memref<!tpu.dma_semaphore, #tpu.memory_space<semaphore_mem>>) src(%dma_wait3A_60 : memref<128x16xf32, #tpu.memory_space<vmem_shared>>) dst(%dma_wait3A_58 : memref<128x16xf32, #tpu.memory_space<vmem>>)
      tpu.yield
    }) : () -> ()
    %add3A_37 = arith.constant 384 : i32
    %add3A_38 = arith.addi %mul3A_2, %add3A_37 : i32
    "tpu.region"() ({
      %run_scoped3A = tpu.sem_alloc : memref<!tpu.dma_semaphore, #tpu.memory_space<semaphore_mem>>
      %dma_start3A = arith.constant 0 : i32
      %dma_start3A_43 = arith.constant 0 : i32
      %dma_start3A_44 = tpu.memref_slice %arg7[%dma_start3A, %dma_start3A_43] : memref<128x16xf32, #tpu.memory_space<vmem>> -> memref<128x16xf32, #tpu.memory_space<vmem>>
      %dma_start3A_45 = arith.constant 0 : i32
      %dma_start3A_46 = tpu.memref_slice %arg3[%arg0, %add3A_38, %dma_start3A_45] : memref<2x10240x16xf32, #tpu.memory_space<hbm>> -> memref<1x128x16xf32, #tpu.memory_space<hbm>>
      %dma_start3A_47 = tpu.memref_squeeze %dma_start3A_46 : memref<1x128x16xf32, #tpu.memory_space<hbm>> -> memref<128x16xf32, #tpu.memory_space<hbm>>
      %dma_start3A_48 = arith.constant 0 : i32
      %dma_start3A_49 = tpu.memref_slice %arg3[%arg0, %add3A_38, %dma_start3A_48] : memref<2x10240x16xf32, #tpu.memory_space<hbm>> -> memref<1x128x16xf32, #tpu.memory_space<hbm>>
      %dma_start3A_50 = tpu.memref_squeeze %dma_start3A_49 : memref<1x128x16xf32, #tpu.memory_space<hbm>> -> memref<128x16xf32, #tpu.memory_space<hbm>>
      %dma_start3A_51 = arith.constant 0 : i32
      %dma_start3A_52 = arith.constant 0 : i32
      %dma_start3A_53 = tpu.memref_slice %arg7[%dma_start3A_51, %dma_start3A_52] : memref<128x16xf32, #tpu.memory_space<vmem>> -> memref<128x16xf32, #tpu.memory_space<vmem>>
      tpu.enqueue_dma source(%dma_start3A_53 : memref<128x16xf32, #tpu.memory_space<vmem>>) target(%dma_start3A_50 : memref<128x16xf32, #tpu.memory_space<hbm>>) target_semaphore(%run_scoped3A : memref<!tpu.dma_semaphore, #tpu.memory_space<semaphore_mem>>)
      %dma_wait3A = arith.constant 0 : i32
      %dma_wait3A_54 = arith.constant 0 : i32
      %dma_wait3A_55 = tpu.memref_slice %arg7[%dma_wait3A, %dma_wait3A_54] : memref<128x16xf32, #tpu.memory_space<vmem>> -> memref<128x16xf32, #tpu.memory_space<vmem>>
      %dma_wait3A_56 = arith.constant 0 : i32
      %dma_wait3A_57 = tpu.memref_slice %arg3[%arg0, %add3A_38, %dma_wait3A_56] : memref<2x10240x16xf32, #tpu.memory_space<hbm>> -> memref<1x128x16xf32, #tpu.memory_space<hbm>>
      %dma_wait3A_58 = tpu.memref_squeeze %dma_wait3A_57 : memref<1x128x16xf32, #tpu.memory_space<hbm>> -> memref<128x16xf32, #tpu.memory_space<hbm>>
      %dma_wait3A_59 = arith.constant 0 : i32
      %dma_wait3A_60 = tpu.memref_slice %arg3[%arg0, %add3A_38, %dma_wait3A_59] : memref<2x10240x16xf32, #tpu.memory_space<hbm>> -> memref<1x128x16xf32, #tpu.memory_space<hbm>>
      %dma_wait3A_61 = tpu.memref_squeeze %dma_wait3A_60 : memref<1x128x16xf32, #tpu.memory_space<hbm>> -> memref<128x16xf32, #tpu.memory_space<hbm>>
      %dma_wait3A_62 = arith.constant 0 : i32
      %dma_wait3A_63 = arith.constant 0 : i32
      %dma_wait3A_64 = tpu.memref_slice %arg7[%dma_wait3A_62, %dma_wait3A_63] : memref<128x16xf32, #tpu.memory_space<vmem>> -> memref<128x16xf32, #tpu.memory_space<vmem>>
      tpu.wait_dma2 semaphore(%run_scoped3A : memref<!tpu.dma_semaphore, #tpu.memory_space<semaphore_mem>>) src(%dma_wait3A_64 : memref<128x16xf32, #tpu.memory_space<vmem>>) dst(%dma_wait3A_61 : memref<128x16xf32, #tpu.memory_space<hbm>>)
      tpu.yield
    }) : () -> ()
    %add3A_39 = arith.constant 512 : i32
    %add3A_40 = arith.addi %mul3A_2, %add3A_39 : i32
    "tpu.region"() ({
      %run_scoped3A = tpu.sem_alloc : memref<!tpu.dma_semaphore, #tpu.memory_space<semaphore_mem>>
      %dma_start3A = arith.constant 0 : i32
      %dma_start3A_43 = arith.constant 0 : i32
      %dma_start3A_44 = tpu.memref_slice %arg7[%dma_start3A, %dma_start3A_43] : memref<128x16xf32, #tpu.memory_space<vmem>> -> memref<128x16xf32, #tpu.memory_space<vmem>>
      %dma_start3A_45 = arith.constant 0 : i32
      %dma_start3A_46 = tpu.memref_slice %arg4[%add3A_40, %dma_start3A_45] : memref<10240x16xf32, #tpu.memory_space<vmem_shared>> -> memref<128x16xf32, #tpu.memory_space<vmem_shared>>
      %dma_start3A_47 = arith.constant 0 : i32
      %dma_start3A_48 = arith.constant 0 : i32
      %dma_start3A_49 = tpu.memref_slice %arg7[%dma_start3A_47, %dma_start3A_48] : memref<128x16xf32, #tpu.memory_space<vmem>> -> memref<128x16xf32, #tpu.memory_space<vmem>>
      %dma_start3A_50 = arith.constant 0 : i32
      %dma_start3A_51 = tpu.memref_slice %arg4[%add3A_40, %dma_start3A_50] : memref<10240x16xf32, #tpu.memory_space<vmem_shared>> -> memref<128x16xf32, #tpu.memory_space<vmem_shared>>
      tpu.enqueue_dma source(%dma_start3A_51 : memref<128x16xf32, #tpu.memory_space<vmem_shared>>) target(%dma_start3A_49 : memref<128x16xf32, #tpu.memory_space<vmem>>) target_semaphore(%run_scoped3A : memref<!tpu.dma_semaphore, #tpu.memory_space<semaphore_mem>>)
      %dma_wait3A = arith.constant 0 : i32
      %dma_wait3A_52 = arith.constant 0 : i32
      %dma_wait3A_53 = tpu.memref_slice %arg7[%dma_wait3A, %dma_wait3A_52] : memref<128x16xf32, #tpu.memory_space<vmem>> -> memref<128x16xf32, #tpu.memory_space<vmem>>
      %dma_wait3A_54 = arith.constant 0 : i32
      %dma_wait3A_55 = tpu.memref_slice %arg4[%add3A_40, %dma_wait3A_54] : memref<10240x16xf32, #tpu.memory_space<vmem_shared>> -> memref<128x16xf32, #tpu.memory_space<vmem_shared>>
      %dma_wait3A_56 = arith.constant 0 : i32
      %dma_wait3A_57 = arith.constant 0 : i32
      %dma_wait3A_58 = tpu.memref_slice %arg7[%dma_wait3A_56, %dma_wait3A_57] : memref<128x16xf32, #tpu.memory_space<vmem>> -> memref<128x16xf32, #tpu.memory_space<vmem>>
      %dma_wait3A_59 = arith.constant 0 : i32
      %dma_wait3A_60 = tpu.memref_slice %arg4[%add3A_40, %dma_wait3A_59] : memref<10240x16xf32, #tpu.memory_space<vmem_shared>> -> memref<128x16xf32, #tpu.memory_space<vmem_shared>>
      tpu.wait_dma2 semaphore(%run_scoped3A : memref<!tpu.dma_semaphore, #tpu.memory_space<semaphore_mem>>) src(%dma_wait3A_60 : memref<128x16xf32, #tpu.memory_space<vmem_shared>>) dst(%dma_wait3A_58 : memref<128x16xf32, #tpu.memory_space<vmem>>)
      tpu.yield
    }) : () -> ()
    %add3A_41 = arith.constant 512 : i32
    %add3A_42 = arith.addi %mul3A_2, %add3A_41 : i32
    "tpu.region"() ({
      %run_scoped3A = tpu.sem_alloc : memref<!tpu.dma_semaphore, #tpu.memory_space<semaphore_mem>>
      %dma_start3A = arith.constant 0 : i32
      %dma_start3A_43 = arith.constant 0 : i32
      %dma_start3A_44 = tpu.memref_slice %arg7[%dma_start3A, %dma_start3A_43] : memref<128x16xf32, #tpu.memory_space<vmem>> -> memref<128x16xf32, #tpu.memory_space<vmem>>
      %dma_start3A_45 = arith.constant 0 : i32
      %dma_start3A_46 = tpu.memref_slice %arg3[%arg0, %add3A_42, %dma_start3A_45] : memref<2x10240x16xf32, #tpu.memory_space<hbm>> -> memref<1x128x16xf32, #tpu.memory_space<hbm>>
      %dma_start3A_47 = tpu.memref_squeeze %dma_start3A_46 : memref<1x128x16xf32, #tpu.memory_space<hbm>> -> memref<128x16xf32, #tpu.memory_space<hbm>>
      %dma_start3A_48 = arith.constant 0 : i32
      %dma_start3A_49 = tpu.memref_slice %arg3[%arg0, %add3A_42, %dma_start3A_48] : memref<2x10240x16xf32, #tpu.memory_space<hbm>> -> memref<1x128x16xf32, #tpu.memory_space<hbm>>
      %dma_start3A_50 = tpu.memref_squeeze %dma_start3A_49 : memref<1x128x16xf32, #tpu.memory_space<hbm>> -> memref<128x16xf32, #tpu.memory_space<hbm>>
      %dma_start3A_51 = arith.constant 0 : i32
      %dma_start3A_52 = arith.constant 0 : i32
      %dma_start3A_53 = tpu.memref_slice %arg7[%dma_start3A_51, %dma_start3A_52] : memref<128x16xf32, #tpu.memory_space<vmem>> -> memref<128x16xf32, #tpu.memory_space<vmem>>
      tpu.enqueue_dma source(%dma_start3A_53 : memref<128x16xf32, #tpu.memory_space<vmem>>) target(%dma_start3A_50 : memref<128x16xf32, #tpu.memory_space<hbm>>) target_semaphore(%run_scoped3A : memref<!tpu.dma_semaphore, #tpu.memory_space<semaphore_mem>>)
      %dma_wait3A = arith.constant 0 : i32
      %dma_wait3A_54 = arith.constant 0 : i32
      %dma_wait3A_55 = tpu.memref_slice %arg7[%dma_wait3A, %dma_wait3A_54] : memref<128x16xf32, #tpu.memory_space<vmem>> -> memref<128x16xf32, #tpu.memory_space<vmem>>
      %dma_wait3A_56 = arith.constant 0 : i32
      %dma_wait3A_57 = tpu.memref_slice %arg3[%arg0, %add3A_42, %dma_wait3A_56] : memref<2x10240x16xf32, #tpu.memory_space<hbm>> -> memref<1x128x16xf32, #tpu.memory_space<hbm>>
      %dma_wait3A_58 = tpu.memref_squeeze %dma_wait3A_57 : memref<1x128x16xf32, #tpu.memory_space<hbm>> -> memref<128x16xf32, #tpu.memory_space<hbm>>
      %dma_wait3A_59 = arith.constant 0 : i32
      %dma_wait3A_60 = tpu.memref_slice %arg3[%arg0, %add3A_42, %dma_wait3A_59] : memref<2x10240x16xf32, #tpu.memory_space<hbm>> -> memref<1x128x16xf32, #tpu.memory_space<hbm>>
      %dma_wait3A_61 = tpu.memref_squeeze %dma_wait3A_60 : memref<1x128x16xf32, #tpu.memory_space<hbm>> -> memref<128x16xf32, #tpu.memory_space<hbm>>
      %dma_wait3A_62 = arith.constant 0 : i32
      %dma_wait3A_63 = arith.constant 0 : i32
      %dma_wait3A_64 = tpu.memref_slice %arg7[%dma_wait3A_62, %dma_wait3A_63] : memref<128x16xf32, #tpu.memory_space<vmem>> -> memref<128x16xf32, #tpu.memory_space<vmem>>
      tpu.wait_dma2 semaphore(%run_scoped3A : memref<!tpu.dma_semaphore, #tpu.memory_space<semaphore_mem>>) src(%dma_wait3A_64 : memref<128x16xf32, #tpu.memory_space<vmem>>) dst(%dma_wait3A_61 : memref<128x16xf32, #tpu.memory_space<hbm>>)
      tpu.yield
    }) : () -> ()
    return
  }
}

#map = affine_map<(d0, d1) -> (0, 0)>
#map1 = affine_map<(d0, d1) -> (0, 0, 0)>
module attributes {stable_mosaic.version = 14 : i64} {
  func.func @_sc_agg_body(%arg0: i32, %arg1: i32, %arg2: memref<10240x128xf32, #tpu.memory_space<hbm>>, %arg3: memref<32x80x128xi32, #tpu.memory_space<hbm>>, %arg4: memref<32x80x128xi32, #tpu.memory_space<hbm>>, %arg5: memref<2x10240x128xf32, #tpu.memory_space<hbm>>, %arg6: memref<10240x128xf32, #tpu.memory_space<vmem_shared>>, %arg7: memref<80x128xi32, #tpu.memory_space<vmem>>, %arg8: memref<80x128xi32, #tpu.memory_space<vmem>>, %arg9: memref<128x128xf32, #tpu.memory_space<vmem>>, %arg10: memref<!tpu.dma_semaphore, #tpu.memory_space<semaphore_mem>>) attributes {dimension_semantics = [#tpu.dimension_semantics<core_parallel>, #tpu.dimension_semantics<subcore_parallel>], iteration_bounds = array<i64: 2, 16>, scalar_prefetch = 0 : i64, scratch_operands = 5 : i64, tpu.core_type = #tpu.core_type<sc_vector_subcore>, window_params = [{transform_indices = #map}, {transform_indices = #map1}, {transform_indices = #map1}, {transform_indices = #map1}]} {
    %mul3A = arith.constant 16 : i32
    %mul3A_0 = arith.muli %arg0, %mul3A : i32
    %add3A = arith.addi %mul3A_0, %arg1 : i32
    %mul3A_1 = arith.constant 640 : i32
    %mul3A_2 = arith.muli %arg1, %mul3A_1 : i32
    %scan3A = arith.constant 0 : i32
    %scan3A_3 = arith.constant 128 : i32
    %scan3A_4 = arith.addi %scan3A, %scan3A_3 : i32
    %scan3A_5 = arith.constant 1 : i32
    scf.for %scan3A_43 = %scan3A to %scan3A_4 step %scan3A_5  : i32 {
      %mul3A_44 = arith.constant 1 : i32
      %mul3A_45 = arith.muli %scan3A_43, %mul3A_44 : i32
      %add3A_46 = arith.constant 0 : i32
      %add3A_47 = arith.addi %add3A_46, %mul3A_45 : i32
      %broadcast_in_dim3A = arith.constant 0.000000e+00 : f32
      %broadcast_in_dim3A_48 = vector.broadcast %broadcast_in_dim3A : f32 to vector<16xf32>
      %swap3A = arith.index_cast %add3A_47 : i32 to index
      %swap3A_49 = arith.constant 0 : index
      %swap3A_50 = tpu.vector_load %arg9[%swap3A, %swap3A_49] {strides = array<i32>} : memref<128x128xf32, #tpu.memory_space<vmem>>, vector<1x16xf32>,
      %swap3A_51 = vector.shape_cast %swap3A_50 : vector<1x16xf32> to vector<16xf32>
      %swap3A_52 = vector.shape_cast %broadcast_in_dim3A_48 : vector<16xf32> to vector<1x16xf32>
      tpu.vector_store %arg9[%swap3A, %swap3A_49], %swap3A_52 {strides = array<i32>} : memref<128x128xf32, #tpu.memory_space<vmem>>, vector<1x16xf32>,
      %broadcast_in_dim3A_53 = arith.constant 0.000000e+00 : f32
      %broadcast_in_dim3A_54 = vector.broadcast %broadcast_in_dim3A_53 : f32 to vector<16xf32>
      %swap3A_55 = arith.index_cast %add3A_47 : i32 to index
      %swap3A_56 = arith.constant 16 : index
      %swap3A_57 = tpu.vector_load %arg9[%swap3A_55, %swap3A_56] {strides = array<i32>} : memref<128x128xf32, #tpu.memory_space<vmem>>, vector<1x16xf32>,
      %swap3A_58 = vector.shape_cast %swap3A_57 : vector<1x16xf32> to vector<16xf32>
      %swap3A_59 = vector.shape_cast %broadcast_in_dim3A_54 : vector<16xf32> to vector<1x16xf32>
      tpu.vector_store %arg9[%swap3A_55, %swap3A_56], %swap3A_59 {strides = array<i32>} : memref<128x128xf32, #tpu.memory_space<vmem>>, vector<1x16xf32>,
      %broadcast_in_dim3A_60 = arith.constant 0.000000e+00 : f32
      %broadcast_in_dim3A_61 = vector.broadcast %broadcast_in_dim3A_60 : f32 to vector<16xf32>
      %swap3A_62 = arith.index_cast %add3A_47 : i32 to index
      %swap3A_63 = arith.constant 32 : index
      %swap3A_64 = tpu.vector_load %arg9[%swap3A_62, %swap3A_63] {strides = array<i32>} : memref<128x128xf32, #tpu.memory_space<vmem>>, vector<1x16xf32>,
      %swap3A_65 = vector.shape_cast %swap3A_64 : vector<1x16xf32> to vector<16xf32>
      %swap3A_66 = vector.shape_cast %broadcast_in_dim3A_61 : vector<16xf32> to vector<1x16xf32>
      tpu.vector_store %arg9[%swap3A_62, %swap3A_63], %swap3A_66 {strides = array<i32>} : memref<128x128xf32, #tpu.memory_space<vmem>>, vector<1x16xf32>,
      %broadcast_in_dim3A_67 = arith.constant 0.000000e+00 : f32
      %broadcast_in_dim3A_68 = vector.broadcast %broadcast_in_dim3A_67 : f32 to vector<16xf32>
      %swap3A_69 = arith.index_cast %add3A_47 : i32 to index
      %swap3A_70 = arith.constant 48 : index
      %swap3A_71 = tpu.vector_load %arg9[%swap3A_69, %swap3A_70] {strides = array<i32>} : memref<128x128xf32, #tpu.memory_space<vmem>>, vector<1x16xf32>,
      %swap3A_72 = vector.shape_cast %swap3A_71 : vector<1x16xf32> to vector<16xf32>
      %swap3A_73 = vector.shape_cast %broadcast_in_dim3A_68 : vector<16xf32> to vector<1x16xf32>
      tpu.vector_store %arg9[%swap3A_69, %swap3A_70], %swap3A_73 {strides = array<i32>} : memref<128x128xf32, #tpu.memory_space<vmem>>, vector<1x16xf32>,
      %broadcast_in_dim3A_74 = arith.constant 0.000000e+00 : f32
      %broadcast_in_dim3A_75 = vector.broadcast %broadcast_in_dim3A_74 : f32 to vector<16xf32>
      %swap3A_76 = arith.index_cast %add3A_47 : i32 to index
      %swap3A_77 = arith.constant 64 : index
      %swap3A_78 = tpu.vector_load %arg9[%swap3A_76, %swap3A_77] {strides = array<i32>} : memref<128x128xf32, #tpu.memory_space<vmem>>, vector<1x16xf32>,
      %swap3A_79 = vector.shape_cast %swap3A_78 : vector<1x16xf32> to vector<16xf32>
      %swap3A_80 = vector.shape_cast %broadcast_in_dim3A_75 : vector<16xf32> to vector<1x16xf32>
      tpu.vector_store %arg9[%swap3A_76, %swap3A_77], %swap3A_80 {strides = array<i32>} : memref<128x128xf32, #tpu.memory_space<vmem>>, vector<1x16xf32>,
      %broadcast_in_dim3A_81 = arith.constant 0.000000e+00 : f32
      %broadcast_in_dim3A_82 = vector.broadcast %broadcast_in_dim3A_81 : f32 to vector<16xf32>
      %swap3A_83 = arith.index_cast %add3A_47 : i32 to index
      %swap3A_84 = arith.constant 80 : index
      %swap3A_85 = tpu.vector_load %arg9[%swap3A_83, %swap3A_84] {strides = array<i32>} : memref<128x128xf32, #tpu.memory_space<vmem>>, vector<1x16xf32>,
      %swap3A_86 = vector.shape_cast %swap3A_85 : vector<1x16xf32> to vector<16xf32>
      %swap3A_87 = vector.shape_cast %broadcast_in_dim3A_82 : vector<16xf32> to vector<1x16xf32>
      tpu.vector_store %arg9[%swap3A_83, %swap3A_84], %swap3A_87 {strides = array<i32>} : memref<128x128xf32, #tpu.memory_space<vmem>>, vector<1x16xf32>,
      %broadcast_in_dim3A_88 = arith.constant 0.000000e+00 : f32
      %broadcast_in_dim3A_89 = vector.broadcast %broadcast_in_dim3A_88 : f32 to vector<16xf32>
      %swap3A_90 = arith.index_cast %add3A_47 : i32 to index
      %swap3A_91 = arith.constant 96 : index
      %swap3A_92 = tpu.vector_load %arg9[%swap3A_90, %swap3A_91] {strides = array<i32>} : memref<128x128xf32, #tpu.memory_space<vmem>>, vector<1x16xf32>,
      %swap3A_93 = vector.shape_cast %swap3A_92 : vector<1x16xf32> to vector<16xf32>
      %swap3A_94 = vector.shape_cast %broadcast_in_dim3A_89 : vector<16xf32> to vector<1x16xf32>
      tpu.vector_store %arg9[%swap3A_90, %swap3A_91], %swap3A_94 {strides = array<i32>} : memref<128x128xf32, #tpu.memory_space<vmem>>, vector<1x16xf32>,
      %broadcast_in_dim3A_95 = arith.constant 0.000000e+00 : f32
      %broadcast_in_dim3A_96 = vector.broadcast %broadcast_in_dim3A_95 : f32 to vector<16xf32>
      %swap3A_97 = arith.index_cast %add3A_47 : i32 to index
      %swap3A_98 = arith.constant 112 : index
      %swap3A_99 = tpu.vector_load %arg9[%swap3A_97, %swap3A_98] {strides = array<i32>} : memref<128x128xf32, #tpu.memory_space<vmem>>, vector<1x16xf32>,
      %swap3A_100 = vector.shape_cast %swap3A_99 : vector<1x16xf32> to vector<16xf32>
      %swap3A_101 = vector.shape_cast %broadcast_in_dim3A_96 : vector<16xf32> to vector<1x16xf32>
      tpu.vector_store %arg9[%swap3A_97, %swap3A_98], %swap3A_101 {strides = array<i32>} : memref<128x128xf32, #tpu.memory_space<vmem>>, vector<1x16xf32>,
    }
    %scan3A_6 = arith.constant 128 : i32
    %add3A_7 = arith.constant 0 : i32
    %add3A_8 = arith.addi %mul3A_2, %add3A_7 : i32
    "tpu.region"() ({
      %run_scoped3A = tpu.sem_alloc : memref<!tpu.dma_semaphore, #tpu.memory_space<semaphore_mem>>
      %dma_start3A = arith.constant 0 : i32
      %dma_start3A_43 = arith.constant 0 : i32
      %dma_start3A_44 = tpu.memref_slice %arg9[%dma_start3A, %dma_start3A_43] : memref<128x128xf32, #tpu.memory_space<vmem>> -> memref<128x128xf32, #tpu.memory_space<vmem>>
      %dma_start3A_45 = arith.constant 0 : i32
      %dma_start3A_46 = tpu.memref_slice %arg6[%add3A_8, %dma_start3A_45] : memref<10240x128xf32, #tpu.memory_space<vmem_shared>> -> memref<128x128xf32, #tpu.memory_space<vmem_shared>>
      %dma_start3A_47 = arith.constant 0 : i32
      %dma_start3A_48 = tpu.memref_slice %arg6[%add3A_8, %dma_start3A_47] : memref<10240x128xf32, #tpu.memory_space<vmem_shared>> -> memref<128x128xf32, #tpu.memory_space<vmem_shared>>
      %dma_start3A_49 = arith.constant 0 : i32
      %dma_start3A_50 = arith.constant 0 : i32
      %dma_start3A_51 = tpu.memref_slice %arg9[%dma_start3A_49, %dma_start3A_50] : memref<128x128xf32, #tpu.memory_space<vmem>> -> memref<128x128xf32, #tpu.memory_space<vmem>>
      tpu.enqueue_dma source(%dma_start3A_51 : memref<128x128xf32, #tpu.memory_space<vmem>>) target(%dma_start3A_48 : memref<128x128xf32, #tpu.memory_space<vmem_shared>>) target_semaphore(%run_scoped3A : memref<!tpu.dma_semaphore, #tpu.memory_space<semaphore_mem>>)
      %dma_wait3A = arith.constant 0 : i32
      %dma_wait3A_52 = arith.constant 0 : i32
      %dma_wait3A_53 = tpu.memref_slice %arg9[%dma_wait3A, %dma_wait3A_52] : memref<128x128xf32, #tpu.memory_space<vmem>> -> memref<128x128xf32, #tpu.memory_space<vmem>>
      %dma_wait3A_54 = arith.constant 0 : i32
      %dma_wait3A_55 = tpu.memref_slice %arg6[%add3A_8, %dma_wait3A_54] : memref<10240x128xf32, #tpu.memory_space<vmem_shared>> -> memref<128x128xf32, #tpu.memory_space<vmem_shared>>
      %dma_wait3A_56 = arith.constant 0 : i32
      %dma_wait3A_57 = tpu.memref_slice %arg6[%add3A_8, %dma_wait3A_56] : memref<10240x128xf32, #tpu.memory_space<vmem_shared>> -> memref<128x128xf32, #tpu.memory_space<vmem_shared>>
      %dma_wait3A_58 = arith.constant 0 : i32
      %dma_wait3A_59 = arith.constant 0 : i32
      %dma_wait3A_60 = tpu.memref_slice %arg9[%dma_wait3A_58, %dma_wait3A_59] : memref<128x128xf32, #tpu.memory_space<vmem>> -> memref<128x128xf32, #tpu.memory_space<vmem>>
      tpu.wait_dma2 semaphore(%run_scoped3A : memref<!tpu.dma_semaphore, #tpu.memory_space<semaphore_mem>>) src(%dma_wait3A_60 : memref<128x128xf32, #tpu.memory_space<vmem>>) dst(%dma_wait3A_57 : memref<128x128xf32, #tpu.memory_space<vmem_shared>>)
      tpu.yield
    }) : () -> ()
    %add3A_9 = arith.constant 128 : i32
    %add3A_10 = arith.addi %mul3A_2, %add3A_9 : i32
    "tpu.region"() ({
      %run_scoped3A = tpu.sem_alloc : memref<!tpu.dma_semaphore, #tpu.memory_space<semaphore_mem>>
      %dma_start3A = arith.constant 0 : i32
      %dma_start3A_43 = arith.constant 0 : i32
      %dma_start3A_44 = tpu.memref_slice %arg9[%dma_start3A, %dma_start3A_43] : memref<128x128xf32, #tpu.memory_space<vmem>> -> memref<128x128xf32, #tpu.memory_space<vmem>>
      %dma_start3A_45 = arith.constant 0 : i32
      %dma_start3A_46 = tpu.memref_slice %arg6[%add3A_10, %dma_start3A_45] : memref<10240x128xf32, #tpu.memory_space<vmem_shared>> -> memref<128x128xf32, #tpu.memory_space<vmem_shared>>
      %dma_start3A_47 = arith.constant 0 : i32
      %dma_start3A_48 = tpu.memref_slice %arg6[%add3A_10, %dma_start3A_47] : memref<10240x128xf32, #tpu.memory_space<vmem_shared>> -> memref<128x128xf32, #tpu.memory_space<vmem_shared>>
      %dma_start3A_49 = arith.constant 0 : i32
      %dma_start3A_50 = arith.constant 0 : i32
      %dma_start3A_51 = tpu.memref_slice %arg9[%dma_start3A_49, %dma_start3A_50] : memref<128x128xf32, #tpu.memory_space<vmem>> -> memref<128x128xf32, #tpu.memory_space<vmem>>
      tpu.enqueue_dma source(%dma_start3A_51 : memref<128x128xf32, #tpu.memory_space<vmem>>) target(%dma_start3A_48 : memref<128x128xf32, #tpu.memory_space<vmem_shared>>) target_semaphore(%run_scoped3A : memref<!tpu.dma_semaphore, #tpu.memory_space<semaphore_mem>>)
      %dma_wait3A = arith.constant 0 : i32
      %dma_wait3A_52 = arith.constant 0 : i32
      %dma_wait3A_53 = tpu.memref_slice %arg9[%dma_wait3A, %dma_wait3A_52] : memref<128x128xf32, #tpu.memory_space<vmem>> -> memref<128x128xf32, #tpu.memory_space<vmem>>
      %dma_wait3A_54 = arith.constant 0 : i32
      %dma_wait3A_55 = tpu.memref_slice %arg6[%add3A_10, %dma_wait3A_54] : memref<10240x128xf32, #tpu.memory_space<vmem_shared>> -> memref<128x128xf32, #tpu.memory_space<vmem_shared>>
      %dma_wait3A_56 = arith.constant 0 : i32
      %dma_wait3A_57 = tpu.memref_slice %arg6[%add3A_10, %dma_wait3A_56] : memref<10240x128xf32, #tpu.memory_space<vmem_shared>> -> memref<128x128xf32, #tpu.memory_space<vmem_shared>>
      %dma_wait3A_58 = arith.constant 0 : i32
      %dma_wait3A_59 = arith.constant 0 : i32
      %dma_wait3A_60 = tpu.memref_slice %arg9[%dma_wait3A_58, %dma_wait3A_59] : memref<128x128xf32, #tpu.memory_space<vmem>> -> memref<128x128xf32, #tpu.memory_space<vmem>>
      tpu.wait_dma2 semaphore(%run_scoped3A : memref<!tpu.dma_semaphore, #tpu.memory_space<semaphore_mem>>) src(%dma_wait3A_60 : memref<128x128xf32, #tpu.memory_space<vmem>>) dst(%dma_wait3A_57 : memref<128x128xf32, #tpu.memory_space<vmem_shared>>)
      tpu.yield
    }) : () -> ()
    %add3A_11 = arith.constant 256 : i32
    %add3A_12 = arith.addi %mul3A_2, %add3A_11 : i32
    "tpu.region"() ({
      %run_scoped3A = tpu.sem_alloc : memref<!tpu.dma_semaphore, #tpu.memory_space<semaphore_mem>>
      %dma_start3A = arith.constant 0 : i32
      %dma_start3A_43 = arith.constant 0 : i32
      %dma_start3A_44 = tpu.memref_slice %arg9[%dma_start3A, %dma_start3A_43] : memref<128x128xf32, #tpu.memory_space<vmem>> -> memref<128x128xf32, #tpu.memory_space<vmem>>
      %dma_start3A_45 = arith.constant 0 : i32
      %dma_start3A_46 = tpu.memref_slice %arg6[%add3A_12, %dma_start3A_45] : memref<10240x128xf32, #tpu.memory_space<vmem_shared>> -> memref<128x128xf32, #tpu.memory_space<vmem_shared>>
      %dma_start3A_47 = arith.constant 0 : i32
      %dma_start3A_48 = tpu.memref_slice %arg6[%add3A_12, %dma_start3A_47] : memref<10240x128xf32, #tpu.memory_space<vmem_shared>> -> memref<128x128xf32, #tpu.memory_space<vmem_shared>>
      %dma_start3A_49 = arith.constant 0 : i32
      %dma_start3A_50 = arith.constant 0 : i32
      %dma_start3A_51 = tpu.memref_slice %arg9[%dma_start3A_49, %dma_start3A_50] : memref<128x128xf32, #tpu.memory_space<vmem>> -> memref<128x128xf32, #tpu.memory_space<vmem>>
      tpu.enqueue_dma source(%dma_start3A_51 : memref<128x128xf32, #tpu.memory_space<vmem>>) target(%dma_start3A_48 : memref<128x128xf32, #tpu.memory_space<vmem_shared>>) target_semaphore(%run_scoped3A : memref<!tpu.dma_semaphore, #tpu.memory_space<semaphore_mem>>)
      %dma_wait3A = arith.constant 0 : i32
      %dma_wait3A_52 = arith.constant 0 : i32
      %dma_wait3A_53 = tpu.memref_slice %arg9[%dma_wait3A, %dma_wait3A_52] : memref<128x128xf32, #tpu.memory_space<vmem>> -> memref<128x128xf32, #tpu.memory_space<vmem>>
      %dma_wait3A_54 = arith.constant 0 : i32
      %dma_wait3A_55 = tpu.memref_slice %arg6[%add3A_12, %dma_wait3A_54] : memref<10240x128xf32, #tpu.memory_space<vmem_shared>> -> memref<128x128xf32, #tpu.memory_space<vmem_shared>>
      %dma_wait3A_56 = arith.constant 0 : i32
      %dma_wait3A_57 = tpu.memref_slice %arg6[%add3A_12, %dma_wait3A_56] : memref<10240x128xf32, #tpu.memory_space<vmem_shared>> -> memref<128x128xf32, #tpu.memory_space<vmem_shared>>
      %dma_wait3A_58 = arith.constant 0 : i32
      %dma_wait3A_59 = arith.constant 0 : i32
      %dma_wait3A_60 = tpu.memref_slice %arg9[%dma_wait3A_58, %dma_wait3A_59] : memref<128x128xf32, #tpu.memory_space<vmem>> -> memref<128x128xf32, #tpu.memory_space<vmem>>
      tpu.wait_dma2 semaphore(%run_scoped3A : memref<!tpu.dma_semaphore, #tpu.memory_space<semaphore_mem>>) src(%dma_wait3A_60 : memref<128x128xf32, #tpu.memory_space<vmem>>) dst(%dma_wait3A_57 : memref<128x128xf32, #tpu.memory_space<vmem_shared>>)
      tpu.yield
    }) : () -> ()
    %add3A_13 = arith.constant 384 : i32
    %add3A_14 = arith.addi %mul3A_2, %add3A_13 : i32
    "tpu.region"() ({
      %run_scoped3A = tpu.sem_alloc : memref<!tpu.dma_semaphore, #tpu.memory_space<semaphore_mem>>
      %dma_start3A = arith.constant 0 : i32
      %dma_start3A_43 = arith.constant 0 : i32
      %dma_start3A_44 = tpu.memref_slice %arg9[%dma_start3A, %dma_start3A_43] : memref<128x128xf32, #tpu.memory_space<vmem>> -> memref<128x128xf32, #tpu.memory_space<vmem>>
      %dma_start3A_45 = arith.constant 0 : i32
      %dma_start3A_46 = tpu.memref_slice %arg6[%add3A_14, %dma_start3A_45] : memref<10240x128xf32, #tpu.memory_space<vmem_shared>> -> memref<128x128xf32, #tpu.memory_space<vmem_shared>>
      %dma_start3A_47 = arith.constant 0 : i32
      %dma_start3A_48 = tpu.memref_slice %arg6[%add3A_14, %dma_start3A_47] : memref<10240x128xf32, #tpu.memory_space<vmem_shared>> -> memref<128x128xf32, #tpu.memory_space<vmem_shared>>
      %dma_start3A_49 = arith.constant 0 : i32
      %dma_start3A_50 = arith.constant 0 : i32
      %dma_start3A_51 = tpu.memref_slice %arg9[%dma_start3A_49, %dma_start3A_50] : memref<128x128xf32, #tpu.memory_space<vmem>> -> memref<128x128xf32, #tpu.memory_space<vmem>>
      tpu.enqueue_dma source(%dma_start3A_51 : memref<128x128xf32, #tpu.memory_space<vmem>>) target(%dma_start3A_48 : memref<128x128xf32, #tpu.memory_space<vmem_shared>>) target_semaphore(%run_scoped3A : memref<!tpu.dma_semaphore, #tpu.memory_space<semaphore_mem>>)
      %dma_wait3A = arith.constant 0 : i32
      %dma_wait3A_52 = arith.constant 0 : i32
      %dma_wait3A_53 = tpu.memref_slice %arg9[%dma_wait3A, %dma_wait3A_52] : memref<128x128xf32, #tpu.memory_space<vmem>> -> memref<128x128xf32, #tpu.memory_space<vmem>>
      %dma_wait3A_54 = arith.constant 0 : i32
      %dma_wait3A_55 = tpu.memref_slice %arg6[%add3A_14, %dma_wait3A_54] : memref<10240x128xf32, #tpu.memory_space<vmem_shared>> -> memref<128x128xf32, #tpu.memory_space<vmem_shared>>
      %dma_wait3A_56 = arith.constant 0 : i32
      %dma_wait3A_57 = tpu.memref_slice %arg6[%add3A_14, %dma_wait3A_56] : memref<10240x128xf32, #tpu.memory_space<vmem_shared>> -> memref<128x128xf32, #tpu.memory_space<vmem_shared>>
      %dma_wait3A_58 = arith.constant 0 : i32
      %dma_wait3A_59 = arith.constant 0 : i32
      %dma_wait3A_60 = tpu.memref_slice %arg9[%dma_wait3A_58, %dma_wait3A_59] : memref<128x128xf32, #tpu.memory_space<vmem>> -> memref<128x128xf32, #tpu.memory_space<vmem>>
      tpu.wait_dma2 semaphore(%run_scoped3A : memref<!tpu.dma_semaphore, #tpu.memory_space<semaphore_mem>>) src(%dma_wait3A_60 : memref<128x128xf32, #tpu.memory_space<vmem>>) dst(%dma_wait3A_57 : memref<128x128xf32, #tpu.memory_space<vmem_shared>>)
      tpu.yield
    }) : () -> ()
    %add3A_15 = arith.constant 512 : i32
    %add3A_16 = arith.addi %mul3A_2, %add3A_15 : i32
    "tpu.region"() ({
      %run_scoped3A = tpu.sem_alloc : memref<!tpu.dma_semaphore, #tpu.memory_space<semaphore_mem>>
      %dma_start3A = arith.constant 0 : i32
      %dma_start3A_43 = arith.constant 0 : i32
      %dma_start3A_44 = tpu.memref_slice %arg9[%dma_start3A, %dma_start3A_43] : memref<128x128xf32, #tpu.memory_space<vmem>> -> memref<128x128xf32, #tpu.memory_space<vmem>>
      %dma_start3A_45 = arith.constant 0 : i32
      %dma_start3A_46 = tpu.memref_slice %arg6[%add3A_16, %dma_start3A_45] : memref<10240x128xf32, #tpu.memory_space<vmem_shared>> -> memref<128x128xf32, #tpu.memory_space<vmem_shared>>
      %dma_start3A_47 = arith.constant 0 : i32
      %dma_start3A_48 = tpu.memref_slice %arg6[%add3A_16, %dma_start3A_47] : memref<10240x128xf32, #tpu.memory_space<vmem_shared>> -> memref<128x128xf32, #tpu.memory_space<vmem_shared>>
      %dma_start3A_49 = arith.constant 0 : i32
      %dma_start3A_50 = arith.constant 0 : i32
      %dma_start3A_51 = tpu.memref_slice %arg9[%dma_start3A_49, %dma_start3A_50] : memref<128x128xf32, #tpu.memory_space<vmem>> -> memref<128x128xf32, #tpu.memory_space<vmem>>
      tpu.enqueue_dma source(%dma_start3A_51 : memref<128x128xf32, #tpu.memory_space<vmem>>) target(%dma_start3A_48 : memref<128x128xf32, #tpu.memory_space<vmem_shared>>) target_semaphore(%run_scoped3A : memref<!tpu.dma_semaphore, #tpu.memory_space<semaphore_mem>>)
      %dma_wait3A = arith.constant 0 : i32
      %dma_wait3A_52 = arith.constant 0 : i32
      %dma_wait3A_53 = tpu.memref_slice %arg9[%dma_wait3A, %dma_wait3A_52] : memref<128x128xf32, #tpu.memory_space<vmem>> -> memref<128x128xf32, #tpu.memory_space<vmem>>
      %dma_wait3A_54 = arith.constant 0 : i32
      %dma_wait3A_55 = tpu.memref_slice %arg6[%add3A_16, %dma_wait3A_54] : memref<10240x128xf32, #tpu.memory_space<vmem_shared>> -> memref<128x128xf32, #tpu.memory_space<vmem_shared>>
      %dma_wait3A_56 = arith.constant 0 : i32
      %dma_wait3A_57 = tpu.memref_slice %arg6[%add3A_16, %dma_wait3A_56] : memref<10240x128xf32, #tpu.memory_space<vmem_shared>> -> memref<128x128xf32, #tpu.memory_space<vmem_shared>>
      %dma_wait3A_58 = arith.constant 0 : i32
      %dma_wait3A_59 = arith.constant 0 : i32
      %dma_wait3A_60 = tpu.memref_slice %arg9[%dma_wait3A_58, %dma_wait3A_59] : memref<128x128xf32, #tpu.memory_space<vmem>> -> memref<128x128xf32, #tpu.memory_space<vmem>>
      tpu.wait_dma2 semaphore(%run_scoped3A : memref<!tpu.dma_semaphore, #tpu.memory_space<semaphore_mem>>) src(%dma_wait3A_60 : memref<128x128xf32, #tpu.memory_space<vmem>>) dst(%dma_wait3A_57 : memref<128x128xf32, #tpu.memory_space<vmem_shared>>)
      tpu.yield
    }) : () -> ()
    "tpu.region"() ({
      %run_scoped3A = tpu.sem_alloc : memref<!tpu.dma_semaphore, #tpu.memory_space<semaphore_mem>>
      %dma_start3A = arith.constant 0 : i32
      %dma_start3A_43 = arith.constant 0 : i32
      %dma_start3A_44 = tpu.memref_slice %arg3[%add3A, %dma_start3A, %dma_start3A_43] : memref<32x80x128xi32, #tpu.memory_space<hbm>> -> memref<1x80x128xi32, #tpu.memory_space<hbm>>
      %dma_start3A_45 = tpu.memref_squeeze %dma_start3A_44 : memref<1x80x128xi32, #tpu.memory_space<hbm>> -> memref<80x128xi32, #tpu.memory_space<hbm>>
      %dma_start3A_46 = arith.constant 0 : i32
      %dma_start3A_47 = arith.constant 0 : i32
      %dma_start3A_48 = tpu.memref_slice %arg3[%add3A, %dma_start3A_46, %dma_start3A_47] : memref<32x80x128xi32, #tpu.memory_space<hbm>> -> memref<1x80x128xi32, #tpu.memory_space<hbm>>
      %dma_start3A_49 = tpu.memref_squeeze %dma_start3A_48 : memref<1x80x128xi32, #tpu.memory_space<hbm>> -> memref<80x128xi32, #tpu.memory_space<hbm>>
      tpu.enqueue_dma source(%dma_start3A_49 : memref<80x128xi32, #tpu.memory_space<hbm>>) target(%arg7 : memref<80x128xi32, #tpu.memory_space<vmem>>) target_semaphore(%run_scoped3A : memref<!tpu.dma_semaphore, #tpu.memory_space<semaphore_mem>>)
      %dma_wait3A = arith.constant 0 : i32
      %dma_wait3A_50 = arith.constant 0 : i32
      %dma_wait3A_51 = tpu.memref_slice %arg3[%add3A, %dma_wait3A, %dma_wait3A_50] : memref<32x80x128xi32, #tpu.memory_space<hbm>> -> memref<1x80x128xi32, #tpu.memory_space<hbm>>
      %dma_wait3A_52 = tpu.memref_squeeze %dma_wait3A_51 : memref<1x80x128xi32, #tpu.memory_space<hbm>> -> memref<80x128xi32, #tpu.memory_space<hbm>>
      %dma_wait3A_53 = arith.constant 0 : i32
      %dma_wait3A_54 = arith.constant 0 : i32
      %dma_wait3A_55 = tpu.memref_slice %arg3[%add3A, %dma_wait3A_53, %dma_wait3A_54] : memref<32x80x128xi32, #tpu.memory_space<hbm>> -> memref<1x80x128xi32, #tpu.memory_space<hbm>>
      %dma_wait3A_56 = tpu.memref_squeeze %dma_wait3A_55 : memref<1x80x128xi32, #tpu.memory_space<hbm>> -> memref<80x128xi32, #tpu.memory_space<hbm>>
      tpu.wait_dma2 semaphore(%run_scoped3A : memref<!tpu.dma_semaphore, #tpu.memory_space<semaphore_mem>>) src(%dma_wait3A_56 : memref<80x128xi32, #tpu.memory_space<hbm>>) dst(%arg7 : memref<80x128xi32, #tpu.memory_space<vmem>>)
      tpu.yield
    }) : () -> ()
    "tpu.region"() ({
      %run_scoped3A = tpu.sem_alloc : memref<!tpu.dma_semaphore, #tpu.memory_space<semaphore_mem>>
      %dma_start3A = arith.constant 0 : i32
      %dma_start3A_43 = arith.constant 0 : i32
      %dma_start3A_44 = tpu.memref_slice %arg4[%add3A, %dma_start3A, %dma_start3A_43] : memref<32x80x128xi32, #tpu.memory_space<hbm>> -> memref<1x80x128xi32, #tpu.memory_space<hbm>>
      %dma_start3A_45 = tpu.memref_squeeze %dma_start3A_44 : memref<1x80x128xi32, #tpu.memory_space<hbm>> -> memref<80x128xi32, #tpu.memory_space<hbm>>
      %dma_start3A_46 = arith.constant 0 : i32
      %dma_start3A_47 = arith.constant 0 : i32
      %dma_start3A_48 = tpu.memref_slice %arg4[%add3A, %dma_start3A_46, %dma_start3A_47] : memref<32x80x128xi32, #tpu.memory_space<hbm>> -> memref<1x80x128xi32, #tpu.memory_space<hbm>>
      %dma_start3A_49 = tpu.memref_squeeze %dma_start3A_48 : memref<1x80x128xi32, #tpu.memory_space<hbm>> -> memref<80x128xi32, #tpu.memory_space<hbm>>
      tpu.enqueue_dma source(%dma_start3A_49 : memref<80x128xi32, #tpu.memory_space<hbm>>) target(%arg8 : memref<80x128xi32, #tpu.memory_space<vmem>>) target_semaphore(%run_scoped3A : memref<!tpu.dma_semaphore, #tpu.memory_space<semaphore_mem>>)
      %dma_wait3A = arith.constant 0 : i32
      %dma_wait3A_50 = arith.constant 0 : i32
      %dma_wait3A_51 = tpu.memref_slice %arg4[%add3A, %dma_wait3A, %dma_wait3A_50] : memref<32x80x128xi32, #tpu.memory_space<hbm>> -> memref<1x80x128xi32, #tpu.memory_space<hbm>>
      %dma_wait3A_52 = tpu.memref_squeeze %dma_wait3A_51 : memref<1x80x128xi32, #tpu.memory_space<hbm>> -> memref<80x128xi32, #tpu.memory_space<hbm>>
      %dma_wait3A_53 = arith.constant 0 : i32
      %dma_wait3A_54 = arith.constant 0 : i32
      %dma_wait3A_55 = tpu.memref_slice %arg4[%add3A, %dma_wait3A_53, %dma_wait3A_54] : memref<32x80x128xi32, #tpu.memory_space<hbm>> -> memref<1x80x128xi32, #tpu.memory_space<hbm>>
      %dma_wait3A_56 = tpu.memref_squeeze %dma_wait3A_55 : memref<1x80x128xi32, #tpu.memory_space<hbm>> -> memref<80x128xi32, #tpu.memory_space<hbm>>
      tpu.wait_dma2 semaphore(%run_scoped3A : memref<!tpu.dma_semaphore, #tpu.memory_space<semaphore_mem>>) src(%dma_wait3A_56 : memref<80x128xi32, #tpu.memory_space<hbm>>) dst(%arg8 : memref<80x128xi32, #tpu.memory_space<vmem>>)
      tpu.yield
    }) : () -> ()
    %barrier3A = arith.constant 0 : index
    tpu.barrier barrier_id(%barrier3A)
    %scan3A_17 = arith.constant 0 : i32
    %scan3A_18 = arith.constant 80 : i32
    %scan3A_19 = arith.addi %scan3A_17, %scan3A_18 : i32
    %scan3A_20 = arith.constant 1 : i32
    scf.for %scan3A_43 = %scan3A_17 to %scan3A_19 step %scan3A_20  : i32 {
      %mul3A_44 = arith.constant 1 : i32
      %mul3A_45 = arith.muli %scan3A_43, %mul3A_44 : i32
      %add3A_46 = arith.constant 0 : i32
      %add3A_47 = arith.addi %add3A_46, %mul3A_45 : i32
      %dma_start3A = arith.constant 0 : i32
      %dma_start3A_48 = tpu.memref_slice %arg7[%add3A_47, %dma_start3A] : memref<80x128xi32, #tpu.memory_space<vmem>> -> memref<1x128xi32, #tpu.memory_space<vmem>>
      %dma_start3A_49 = tpu.memref_squeeze %dma_start3A_48 : memref<1x128xi32, #tpu.memory_space<vmem>> -> memref<128xi32, #tpu.memory_space<vmem>>
      %dma_start3A_50 = arith.constant 0 : i32
      %dma_start3A_51 = arith.constant 0 : i32
      %dma_start3A_52 = tpu.memref_slice %arg2[%dma_start3A_50, %dma_start3A_51] : memref<10240x128xf32, #tpu.memory_space<hbm>> -> memref<10240x128xf32, #tpu.memory_space<hbm>>
      tpu.enqueue_indirect_dma source(%dma_start3A_52 : memref<10240x128xf32, #tpu.memory_space<hbm>>) target(%arg9 : memref<128x128xf32, #tpu.memory_space<vmem>>) offsets(%dma_start3A_49 : memref<128xi32, #tpu.memory_space<vmem>>) semaphore(%arg10 : memref<!tpu.dma_semaphore, #tpu.memory_space<semaphore_mem>>)
      %dma_wait3A = arith.constant 0 : i32
      %dma_wait3A_53 = tpu.memref_slice %arg7[%add3A_47, %dma_wait3A] : memref<80x128xi32, #tpu.memory_space<vmem>> -> memref<1x128xi32, #tpu.memory_space<vmem>>
      %dma_wait3A_54 = tpu.memref_squeeze %dma_wait3A_53 : memref<1x128xi32, #tpu.memory_space<vmem>> -> memref<128xi32, #tpu.memory_space<vmem>>
      %dma_wait3A_55 = arith.constant 0 : i32
      %dma_wait3A_56 = arith.constant 0 : i32
      %dma_wait3A_57 = tpu.memref_slice %arg2[%dma_wait3A_55, %dma_wait3A_56] : memref<10240x128xf32, #tpu.memory_space<hbm>> -> memref<10240x128xf32, #tpu.memory_space<hbm>>
      tpu.wait_indirect_dma semaphore(%arg10 : memref<!tpu.dma_semaphore, #tpu.memory_space<semaphore_mem>>) src(%dma_wait3A_57 : memref<10240x128xf32, #tpu.memory_space<hbm>>) dst(%arg9 : memref<128x128xf32, #tpu.memory_space<vmem>>)
      "tpu.region"() ({
        %run_scoped3A = tpu.sem_alloc : memref<!tpu.dma_semaphore, #tpu.memory_space<semaphore_mem>>
        %dma_start3A_58 = arith.constant 0 : i32
        %dma_start3A_59 = tpu.memref_slice %arg8[%add3A_47, %dma_start3A_58] : memref<80x128xi32, #tpu.memory_space<vmem>> -> memref<1x128xi32, #tpu.memory_space<vmem>>
        %dma_start3A_60 = tpu.memref_squeeze %dma_start3A_59 : memref<1x128xi32, #tpu.memory_space<vmem>> -> memref<128xi32, #tpu.memory_space<vmem>>
        %dma_start3A_61 = arith.constant 0 : i32
        %dma_start3A_62 = arith.constant 0 : i32
        %dma_start3A_63 = tpu.memref_slice %arg6[%dma_start3A_61, %dma_start3A_62] : memref<10240x128xf32, #tpu.memory_space<vmem_shared>> -> memref<10240x128xf32, #tpu.memory_space<vmem_shared>>
        tpu.enqueue_indirect_dma source(%arg9 : memref<128x128xf32, #tpu.memory_space<vmem>>) target(%dma_start3A_63 : memref<10240x128xf32, #tpu.memory_space<vmem_shared>>) offsets(%dma_start3A_60 : memref<128xi32, #tpu.memory_space<vmem>>) semaphore(%run_scoped3A : memref<!tpu.dma_semaphore, #tpu.memory_space<semaphore_mem>>) {add = true}
        %dma_wait3A_64 = arith.constant 0 : i32
        %dma_wait3A_65 = tpu.memref_slice %arg8[%add3A_47, %dma_wait3A_64] : memref<80x128xi32, #tpu.memory_space<vmem>> -> memref<1x128xi32, #tpu.memory_space<vmem>>
        %dma_wait3A_66 = tpu.memref_squeeze %dma_wait3A_65 : memref<1x128xi32, #tpu.memory_space<vmem>> -> memref<128xi32, #tpu.memory_space<vmem>>
        %dma_wait3A_67 = arith.constant 0 : i32
        %dma_wait3A_68 = arith.constant 0 : i32
        %dma_wait3A_69 = tpu.memref_slice %arg6[%dma_wait3A_67, %dma_wait3A_68] : memref<10240x128xf32, #tpu.memory_space<vmem_shared>> -> memref<10240x128xf32, #tpu.memory_space<vmem_shared>>
        tpu.wait_indirect_dma semaphore(%run_scoped3A : memref<!tpu.dma_semaphore, #tpu.memory_space<semaphore_mem>>) src(%arg9 : memref<128x128xf32, #tpu.memory_space<vmem>>) dst(%dma_wait3A_69 : memref<10240x128xf32, #tpu.memory_space<vmem_shared>>)
        tpu.yield
      }) : () -> ()
    }
    %scan3A_21 = arith.constant 80 : i32
    %barrier3A_22 = arith.constant 0 : index
    tpu.barrier barrier_id(%barrier3A_22)
    %add3A_23 = arith.constant 0 : i32
    %add3A_24 = arith.addi %mul3A_2, %add3A_23 : i32
    "tpu.region"() ({
      %run_scoped3A = tpu.sem_alloc : memref<!tpu.dma_semaphore, #tpu.memory_space<semaphore_mem>>
      %dma_start3A = arith.constant 0 : i32
      %dma_start3A_43 = arith.constant 0 : i32
      %dma_start3A_44 = tpu.memref_slice %arg9[%dma_start3A, %dma_start3A_43] : memref<128x128xf32, #tpu.memory_space<vmem>> -> memref<128x128xf32, #tpu.memory_space<vmem>>
      %dma_start3A_45 = arith.constant 0 : i32
      %dma_start3A_46 = tpu.memref_slice %arg6[%add3A_24, %dma_start3A_45] : memref<10240x128xf32, #tpu.memory_space<vmem_shared>> -> memref<128x128xf32, #tpu.memory_space<vmem_shared>>
      %dma_start3A_47 = arith.constant 0 : i32
      %dma_start3A_48 = arith.constant 0 : i32
      %dma_start3A_49 = tpu.memref_slice %arg9[%dma_start3A_47, %dma_start3A_48] : memref<128x128xf32, #tpu.memory_space<vmem>> -> memref<128x128xf32, #tpu.memory_space<vmem>>
      %dma_start3A_50 = arith.constant 0 : i32
      %dma_start3A_51 = tpu.memref_slice %arg6[%add3A_24, %dma_start3A_50] : memref<10240x128xf32, #tpu.memory_space<vmem_shared>> -> memref<128x128xf32, #tpu.memory_space<vmem_shared>>
      tpu.enqueue_dma source(%dma_start3A_51 : memref<128x128xf32, #tpu.memory_space<vmem_shared>>) target(%dma_start3A_49 : memref<128x128xf32, #tpu.memory_space<vmem>>) target_semaphore(%run_scoped3A : memref<!tpu.dma_semaphore, #tpu.memory_space<semaphore_mem>>)
      %dma_wait3A = arith.constant 0 : i32
      %dma_wait3A_52 = arith.constant 0 : i32
      %dma_wait3A_53 = tpu.memref_slice %arg9[%dma_wait3A, %dma_wait3A_52] : memref<128x128xf32, #tpu.memory_space<vmem>> -> memref<128x128xf32, #tpu.memory_space<vmem>>
      %dma_wait3A_54 = arith.constant 0 : i32
      %dma_wait3A_55 = tpu.memref_slice %arg6[%add3A_24, %dma_wait3A_54] : memref<10240x128xf32, #tpu.memory_space<vmem_shared>> -> memref<128x128xf32, #tpu.memory_space<vmem_shared>>
      %dma_wait3A_56 = arith.constant 0 : i32
      %dma_wait3A_57 = arith.constant 0 : i32
      %dma_wait3A_58 = tpu.memref_slice %arg9[%dma_wait3A_56, %dma_wait3A_57] : memref<128x128xf32, #tpu.memory_space<vmem>> -> memref<128x128xf32, #tpu.memory_space<vmem>>
      %dma_wait3A_59 = arith.constant 0 : i32
      %dma_wait3A_60 = tpu.memref_slice %arg6[%add3A_24, %dma_wait3A_59] : memref<10240x128xf32, #tpu.memory_space<vmem_shared>> -> memref<128x128xf32, #tpu.memory_space<vmem_shared>>
      tpu.wait_dma2 semaphore(%run_scoped3A : memref<!tpu.dma_semaphore, #tpu.memory_space<semaphore_mem>>) src(%dma_wait3A_60 : memref<128x128xf32, #tpu.memory_space<vmem_shared>>) dst(%dma_wait3A_58 : memref<128x128xf32, #tpu.memory_space<vmem>>)
      tpu.yield
    }) : () -> ()
    %add3A_25 = arith.constant 0 : i32
    %add3A_26 = arith.addi %mul3A_2, %add3A_25 : i32
    "tpu.region"() ({
      %run_scoped3A = tpu.sem_alloc : memref<!tpu.dma_semaphore, #tpu.memory_space<semaphore_mem>>
      %dma_start3A = arith.constant 0 : i32
      %dma_start3A_43 = arith.constant 0 : i32
      %dma_start3A_44 = tpu.memref_slice %arg9[%dma_start3A, %dma_start3A_43] : memref<128x128xf32, #tpu.memory_space<vmem>> -> memref<128x128xf32, #tpu.memory_space<vmem>>
      %dma_start3A_45 = arith.constant 0 : i32
      %dma_start3A_46 = tpu.memref_slice %arg5[%arg0, %add3A_26, %dma_start3A_45] : memref<2x10240x128xf32, #tpu.memory_space<hbm>> -> memref<1x128x128xf32, #tpu.memory_space<hbm>>
      %dma_start3A_47 = tpu.memref_squeeze %dma_start3A_46 : memref<1x128x128xf32, #tpu.memory_space<hbm>> -> memref<128x128xf32, #tpu.memory_space<hbm>>
      %dma_start3A_48 = arith.constant 0 : i32
      %dma_start3A_49 = tpu.memref_slice %arg5[%arg0, %add3A_26, %dma_start3A_48] : memref<2x10240x128xf32, #tpu.memory_space<hbm>> -> memref<1x128x128xf32, #tpu.memory_space<hbm>>
      %dma_start3A_50 = tpu.memref_squeeze %dma_start3A_49 : memref<1x128x128xf32, #tpu.memory_space<hbm>> -> memref<128x128xf32, #tpu.memory_space<hbm>>
      %dma_start3A_51 = arith.constant 0 : i32
      %dma_start3A_52 = arith.constant 0 : i32
      %dma_start3A_53 = tpu.memref_slice %arg9[%dma_start3A_51, %dma_start3A_52] : memref<128x128xf32, #tpu.memory_space<vmem>> -> memref<128x128xf32, #tpu.memory_space<vmem>>
      tpu.enqueue_dma source(%dma_start3A_53 : memref<128x128xf32, #tpu.memory_space<vmem>>) target(%dma_start3A_50 : memref<128x128xf32, #tpu.memory_space<hbm>>) target_semaphore(%run_scoped3A : memref<!tpu.dma_semaphore, #tpu.memory_space<semaphore_mem>>)
      %dma_wait3A = arith.constant 0 : i32
      %dma_wait3A_54 = arith.constant 0 : i32
      %dma_wait3A_55 = tpu.memref_slice %arg9[%dma_wait3A, %dma_wait3A_54] : memref<128x128xf32, #tpu.memory_space<vmem>> -> memref<128x128xf32, #tpu.memory_space<vmem>>
      %dma_wait3A_56 = arith.constant 0 : i32
      %dma_wait3A_57 = tpu.memref_slice %arg5[%arg0, %add3A_26, %dma_wait3A_56] : memref<2x10240x128xf32, #tpu.memory_space<hbm>> -> memref<1x128x128xf32, #tpu.memory_space<hbm>>
      %dma_wait3A_58 = tpu.memref_squeeze %dma_wait3A_57 : memref<1x128x128xf32, #tpu.memory_space<hbm>> -> memref<128x128xf32, #tpu.memory_space<hbm>>
      %dma_wait3A_59 = arith.constant 0 : i32
      %dma_wait3A_60 = tpu.memref_slice %arg5[%arg0, %add3A_26, %dma_wait3A_59] : memref<2x10240x128xf32, #tpu.memory_space<hbm>> -> memref<1x128x128xf32, #tpu.memory_space<hbm>>
      %dma_wait3A_61 = tpu.memref_squeeze %dma_wait3A_60 : memref<1x128x128xf32, #tpu.memory_space<hbm>> -> memref<128x128xf32, #tpu.memory_space<hbm>>
      %dma_wait3A_62 = arith.constant 0 : i32
      %dma_wait3A_63 = arith.constant 0 : i32
      %dma_wait3A_64 = tpu.memref_slice %arg9[%dma_wait3A_62, %dma_wait3A_63] : memref<128x128xf32, #tpu.memory_space<vmem>> -> memref<128x128xf32, #tpu.memory_space<vmem>>
      tpu.wait_dma2 semaphore(%run_scoped3A : memref<!tpu.dma_semaphore, #tpu.memory_space<semaphore_mem>>) src(%dma_wait3A_64 : memref<128x128xf32, #tpu.memory_space<vmem>>) dst(%dma_wait3A_61 : memref<128x128xf32, #tpu.memory_space<hbm>>)
      tpu.yield
    }) : () -> ()
    %add3A_27 = arith.constant 128 : i32
    %add3A_28 = arith.addi %mul3A_2, %add3A_27 : i32
    "tpu.region"() ({
      %run_scoped3A = tpu.sem_alloc : memref<!tpu.dma_semaphore, #tpu.memory_space<semaphore_mem>>
      %dma_start3A = arith.constant 0 : i32
      %dma_start3A_43 = arith.constant 0 : i32
      %dma_start3A_44 = tpu.memref_slice %arg9[%dma_start3A, %dma_start3A_43] : memref<128x128xf32, #tpu.memory_space<vmem>> -> memref<128x128xf32, #tpu.memory_space<vmem>>
      %dma_start3A_45 = arith.constant 0 : i32
      %dma_start3A_46 = tpu.memref_slice %arg6[%add3A_28, %dma_start3A_45] : memref<10240x128xf32, #tpu.memory_space<vmem_shared>> -> memref<128x128xf32, #tpu.memory_space<vmem_shared>>
      %dma_start3A_47 = arith.constant 0 : i32
      %dma_start3A_48 = arith.constant 0 : i32
      %dma_start3A_49 = tpu.memref_slice %arg9[%dma_start3A_47, %dma_start3A_48] : memref<128x128xf32, #tpu.memory_space<vmem>> -> memref<128x128xf32, #tpu.memory_space<vmem>>
      %dma_start3A_50 = arith.constant 0 : i32
      %dma_start3A_51 = tpu.memref_slice %arg6[%add3A_28, %dma_start3A_50] : memref<10240x128xf32, #tpu.memory_space<vmem_shared>> -> memref<128x128xf32, #tpu.memory_space<vmem_shared>>
      tpu.enqueue_dma source(%dma_start3A_51 : memref<128x128xf32, #tpu.memory_space<vmem_shared>>) target(%dma_start3A_49 : memref<128x128xf32, #tpu.memory_space<vmem>>) target_semaphore(%run_scoped3A : memref<!tpu.dma_semaphore, #tpu.memory_space<semaphore_mem>>)
      %dma_wait3A = arith.constant 0 : i32
      %dma_wait3A_52 = arith.constant 0 : i32
      %dma_wait3A_53 = tpu.memref_slice %arg9[%dma_wait3A, %dma_wait3A_52] : memref<128x128xf32, #tpu.memory_space<vmem>> -> memref<128x128xf32, #tpu.memory_space<vmem>>
      %dma_wait3A_54 = arith.constant 0 : i32
      %dma_wait3A_55 = tpu.memref_slice %arg6[%add3A_28, %dma_wait3A_54] : memref<10240x128xf32, #tpu.memory_space<vmem_shared>> -> memref<128x128xf32, #tpu.memory_space<vmem_shared>>
      %dma_wait3A_56 = arith.constant 0 : i32
      %dma_wait3A_57 = arith.constant 0 : i32
      %dma_wait3A_58 = tpu.memref_slice %arg9[%dma_wait3A_56, %dma_wait3A_57] : memref<128x128xf32, #tpu.memory_space<vmem>> -> memref<128x128xf32, #tpu.memory_space<vmem>>
      %dma_wait3A_59 = arith.constant 0 : i32
      %dma_wait3A_60 = tpu.memref_slice %arg6[%add3A_28, %dma_wait3A_59] : memref<10240x128xf32, #tpu.memory_space<vmem_shared>> -> memref<128x128xf32, #tpu.memory_space<vmem_shared>>
      tpu.wait_dma2 semaphore(%run_scoped3A : memref<!tpu.dma_semaphore, #tpu.memory_space<semaphore_mem>>) src(%dma_wait3A_60 : memref<128x128xf32, #tpu.memory_space<vmem_shared>>) dst(%dma_wait3A_58 : memref<128x128xf32, #tpu.memory_space<vmem>>)
      tpu.yield
    }) : () -> ()
    %add3A_29 = arith.constant 128 : i32
    %add3A_30 = arith.addi %mul3A_2, %add3A_29 : i32
    "tpu.region"() ({
      %run_scoped3A = tpu.sem_alloc : memref<!tpu.dma_semaphore, #tpu.memory_space<semaphore_mem>>
      %dma_start3A = arith.constant 0 : i32
      %dma_start3A_43 = arith.constant 0 : i32
      %dma_start3A_44 = tpu.memref_slice %arg9[%dma_start3A, %dma_start3A_43] : memref<128x128xf32, #tpu.memory_space<vmem>> -> memref<128x128xf32, #tpu.memory_space<vmem>>
      %dma_start3A_45 = arith.constant 0 : i32
      %dma_start3A_46 = tpu.memref_slice %arg5[%arg0, %add3A_30, %dma_start3A_45] : memref<2x10240x128xf32, #tpu.memory_space<hbm>> -> memref<1x128x128xf32, #tpu.memory_space<hbm>>
      %dma_start3A_47 = tpu.memref_squeeze %dma_start3A_46 : memref<1x128x128xf32, #tpu.memory_space<hbm>> -> memref<128x128xf32, #tpu.memory_space<hbm>>
      %dma_start3A_48 = arith.constant 0 : i32
      %dma_start3A_49 = tpu.memref_slice %arg5[%arg0, %add3A_30, %dma_start3A_48] : memref<2x10240x128xf32, #tpu.memory_space<hbm>> -> memref<1x128x128xf32, #tpu.memory_space<hbm>>
      %dma_start3A_50 = tpu.memref_squeeze %dma_start3A_49 : memref<1x128x128xf32, #tpu.memory_space<hbm>> -> memref<128x128xf32, #tpu.memory_space<hbm>>
      %dma_start3A_51 = arith.constant 0 : i32
      %dma_start3A_52 = arith.constant 0 : i32
      %dma_start3A_53 = tpu.memref_slice %arg9[%dma_start3A_51, %dma_start3A_52] : memref<128x128xf32, #tpu.memory_space<vmem>> -> memref<128x128xf32, #tpu.memory_space<vmem>>
      tpu.enqueue_dma source(%dma_start3A_53 : memref<128x128xf32, #tpu.memory_space<vmem>>) target(%dma_start3A_50 : memref<128x128xf32, #tpu.memory_space<hbm>>) target_semaphore(%run_scoped3A : memref<!tpu.dma_semaphore, #tpu.memory_space<semaphore_mem>>)
      %dma_wait3A = arith.constant 0 : i32
      %dma_wait3A_54 = arith.constant 0 : i32
      %dma_wait3A_55 = tpu.memref_slice %arg9[%dma_wait3A, %dma_wait3A_54] : memref<128x128xf32, #tpu.memory_space<vmem>> -> memref<128x128xf32, #tpu.memory_space<vmem>>
      %dma_wait3A_56 = arith.constant 0 : i32
      %dma_wait3A_57 = tpu.memref_slice %arg5[%arg0, %add3A_30, %dma_wait3A_56] : memref<2x10240x128xf32, #tpu.memory_space<hbm>> -> memref<1x128x128xf32, #tpu.memory_space<hbm>>
      %dma_wait3A_58 = tpu.memref_squeeze %dma_wait3A_57 : memref<1x128x128xf32, #tpu.memory_space<hbm>> -> memref<128x128xf32, #tpu.memory_space<hbm>>
      %dma_wait3A_59 = arith.constant 0 : i32
      %dma_wait3A_60 = tpu.memref_slice %arg5[%arg0, %add3A_30, %dma_wait3A_59] : memref<2x10240x128xf32, #tpu.memory_space<hbm>> -> memref<1x128x128xf32, #tpu.memory_space<hbm>>
      %dma_wait3A_61 = tpu.memref_squeeze %dma_wait3A_60 : memref<1x128x128xf32, #tpu.memory_space<hbm>> -> memref<128x128xf32, #tpu.memory_space<hbm>>
      %dma_wait3A_62 = arith.constant 0 : i32
      %dma_wait3A_63 = arith.constant 0 : i32
      %dma_wait3A_64 = tpu.memref_slice %arg9[%dma_wait3A_62, %dma_wait3A_63] : memref<128x128xf32, #tpu.memory_space<vmem>> -> memref<128x128xf32, #tpu.memory_space<vmem>>
      tpu.wait_dma2 semaphore(%run_scoped3A : memref<!tpu.dma_semaphore, #tpu.memory_space<semaphore_mem>>) src(%dma_wait3A_64 : memref<128x128xf32, #tpu.memory_space<vmem>>) dst(%dma_wait3A_61 : memref<128x128xf32, #tpu.memory_space<hbm>>)
      tpu.yield
    }) : () -> ()
    %add3A_31 = arith.constant 256 : i32
    %add3A_32 = arith.addi %mul3A_2, %add3A_31 : i32
    "tpu.region"() ({
      %run_scoped3A = tpu.sem_alloc : memref<!tpu.dma_semaphore, #tpu.memory_space<semaphore_mem>>
      %dma_start3A = arith.constant 0 : i32
      %dma_start3A_43 = arith.constant 0 : i32
      %dma_start3A_44 = tpu.memref_slice %arg9[%dma_start3A, %dma_start3A_43] : memref<128x128xf32, #tpu.memory_space<vmem>> -> memref<128x128xf32, #tpu.memory_space<vmem>>
      %dma_start3A_45 = arith.constant 0 : i32
      %dma_start3A_46 = tpu.memref_slice %arg6[%add3A_32, %dma_start3A_45] : memref<10240x128xf32, #tpu.memory_space<vmem_shared>> -> memref<128x128xf32, #tpu.memory_space<vmem_shared>>
      %dma_start3A_47 = arith.constant 0 : i32
      %dma_start3A_48 = arith.constant 0 : i32
      %dma_start3A_49 = tpu.memref_slice %arg9[%dma_start3A_47, %dma_start3A_48] : memref<128x128xf32, #tpu.memory_space<vmem>> -> memref<128x128xf32, #tpu.memory_space<vmem>>
      %dma_start3A_50 = arith.constant 0 : i32
      %dma_start3A_51 = tpu.memref_slice %arg6[%add3A_32, %dma_start3A_50] : memref<10240x128xf32, #tpu.memory_space<vmem_shared>> -> memref<128x128xf32, #tpu.memory_space<vmem_shared>>
      tpu.enqueue_dma source(%dma_start3A_51 : memref<128x128xf32, #tpu.memory_space<vmem_shared>>) target(%dma_start3A_49 : memref<128x128xf32, #tpu.memory_space<vmem>>) target_semaphore(%run_scoped3A : memref<!tpu.dma_semaphore, #tpu.memory_space<semaphore_mem>>)
      %dma_wait3A = arith.constant 0 : i32
      %dma_wait3A_52 = arith.constant 0 : i32
      %dma_wait3A_53 = tpu.memref_slice %arg9[%dma_wait3A, %dma_wait3A_52] : memref<128x128xf32, #tpu.memory_space<vmem>> -> memref<128x128xf32, #tpu.memory_space<vmem>>
      %dma_wait3A_54 = arith.constant 0 : i32
      %dma_wait3A_55 = tpu.memref_slice %arg6[%add3A_32, %dma_wait3A_54] : memref<10240x128xf32, #tpu.memory_space<vmem_shared>> -> memref<128x128xf32, #tpu.memory_space<vmem_shared>>
      %dma_wait3A_56 = arith.constant 0 : i32
      %dma_wait3A_57 = arith.constant 0 : i32
      %dma_wait3A_58 = tpu.memref_slice %arg9[%dma_wait3A_56, %dma_wait3A_57] : memref<128x128xf32, #tpu.memory_space<vmem>> -> memref<128x128xf32, #tpu.memory_space<vmem>>
      %dma_wait3A_59 = arith.constant 0 : i32
      %dma_wait3A_60 = tpu.memref_slice %arg6[%add3A_32, %dma_wait3A_59] : memref<10240x128xf32, #tpu.memory_space<vmem_shared>> -> memref<128x128xf32, #tpu.memory_space<vmem_shared>>
      tpu.wait_dma2 semaphore(%run_scoped3A : memref<!tpu.dma_semaphore, #tpu.memory_space<semaphore_mem>>) src(%dma_wait3A_60 : memref<128x128xf32, #tpu.memory_space<vmem_shared>>) dst(%dma_wait3A_58 : memref<128x128xf32, #tpu.memory_space<vmem>>)
      tpu.yield
    }) : () -> ()
    %add3A_33 = arith.constant 256 : i32
    %add3A_34 = arith.addi %mul3A_2, %add3A_33 : i32
    "tpu.region"() ({
      %run_scoped3A = tpu.sem_alloc : memref<!tpu.dma_semaphore, #tpu.memory_space<semaphore_mem>>
      %dma_start3A = arith.constant 0 : i32
      %dma_start3A_43 = arith.constant 0 : i32
      %dma_start3A_44 = tpu.memref_slice %arg9[%dma_start3A, %dma_start3A_43] : memref<128x128xf32, #tpu.memory_space<vmem>> -> memref<128x128xf32, #tpu.memory_space<vmem>>
      %dma_start3A_45 = arith.constant 0 : i32
      %dma_start3A_46 = tpu.memref_slice %arg5[%arg0, %add3A_34, %dma_start3A_45] : memref<2x10240x128xf32, #tpu.memory_space<hbm>> -> memref<1x128x128xf32, #tpu.memory_space<hbm>>
      %dma_start3A_47 = tpu.memref_squeeze %dma_start3A_46 : memref<1x128x128xf32, #tpu.memory_space<hbm>> -> memref<128x128xf32, #tpu.memory_space<hbm>>
      %dma_start3A_48 = arith.constant 0 : i32
      %dma_start3A_49 = tpu.memref_slice %arg5[%arg0, %add3A_34, %dma_start3A_48] : memref<2x10240x128xf32, #tpu.memory_space<hbm>> -> memref<1x128x128xf32, #tpu.memory_space<hbm>>
      %dma_start3A_50 = tpu.memref_squeeze %dma_start3A_49 : memref<1x128x128xf32, #tpu.memory_space<hbm>> -> memref<128x128xf32, #tpu.memory_space<hbm>>
      %dma_start3A_51 = arith.constant 0 : i32
      %dma_start3A_52 = arith.constant 0 : i32
      %dma_start3A_53 = tpu.memref_slice %arg9[%dma_start3A_51, %dma_start3A_52] : memref<128x128xf32, #tpu.memory_space<vmem>> -> memref<128x128xf32, #tpu.memory_space<vmem>>
      tpu.enqueue_dma source(%dma_start3A_53 : memref<128x128xf32, #tpu.memory_space<vmem>>) target(%dma_start3A_50 : memref<128x128xf32, #tpu.memory_space<hbm>>) target_semaphore(%run_scoped3A : memref<!tpu.dma_semaphore, #tpu.memory_space<semaphore_mem>>)
      %dma_wait3A = arith.constant 0 : i32
      %dma_wait3A_54 = arith.constant 0 : i32
      %dma_wait3A_55 = tpu.memref_slice %arg9[%dma_wait3A, %dma_wait3A_54] : memref<128x128xf32, #tpu.memory_space<vmem>> -> memref<128x128xf32, #tpu.memory_space<vmem>>
      %dma_wait3A_56 = arith.constant 0 : i32
      %dma_wait3A_57 = tpu.memref_slice %arg5[%arg0, %add3A_34, %dma_wait3A_56] : memref<2x10240x128xf32, #tpu.memory_space<hbm>> -> memref<1x128x128xf32, #tpu.memory_space<hbm>>
      %dma_wait3A_58 = tpu.memref_squeeze %dma_wait3A_57 : memref<1x128x128xf32, #tpu.memory_space<hbm>> -> memref<128x128xf32, #tpu.memory_space<hbm>>
      %dma_wait3A_59 = arith.constant 0 : i32
      %dma_wait3A_60 = tpu.memref_slice %arg5[%arg0, %add3A_34, %dma_wait3A_59] : memref<2x10240x128xf32, #tpu.memory_space<hbm>> -> memref<1x128x128xf32, #tpu.memory_space<hbm>>
      %dma_wait3A_61 = tpu.memref_squeeze %dma_wait3A_60 : memref<1x128x128xf32, #tpu.memory_space<hbm>> -> memref<128x128xf32, #tpu.memory_space<hbm>>
      %dma_wait3A_62 = arith.constant 0 : i32
      %dma_wait3A_63 = arith.constant 0 : i32
      %dma_wait3A_64 = tpu.memref_slice %arg9[%dma_wait3A_62, %dma_wait3A_63] : memref<128x128xf32, #tpu.memory_space<vmem>> -> memref<128x128xf32, #tpu.memory_space<vmem>>
      tpu.wait_dma2 semaphore(%run_scoped3A : memref<!tpu.dma_semaphore, #tpu.memory_space<semaphore_mem>>) src(%dma_wait3A_64 : memref<128x128xf32, #tpu.memory_space<vmem>>) dst(%dma_wait3A_61 : memref<128x128xf32, #tpu.memory_space<hbm>>)
      tpu.yield
    }) : () -> ()
    %add3A_35 = arith.constant 384 : i32
    %add3A_36 = arith.addi %mul3A_2, %add3A_35 : i32
    "tpu.region"() ({
      %run_scoped3A = tpu.sem_alloc : memref<!tpu.dma_semaphore, #tpu.memory_space<semaphore_mem>>
      %dma_start3A = arith.constant 0 : i32
      %dma_start3A_43 = arith.constant 0 : i32
      %dma_start3A_44 = tpu.memref_slice %arg9[%dma_start3A, %dma_start3A_43] : memref<128x128xf32, #tpu.memory_space<vmem>> -> memref<128x128xf32, #tpu.memory_space<vmem>>
      %dma_start3A_45 = arith.constant 0 : i32
      %dma_start3A_46 = tpu.memref_slice %arg6[%add3A_36, %dma_start3A_45] : memref<10240x128xf32, #tpu.memory_space<vmem_shared>> -> memref<128x128xf32, #tpu.memory_space<vmem_shared>>
      %dma_start3A_47 = arith.constant 0 : i32
      %dma_start3A_48 = arith.constant 0 : i32
      %dma_start3A_49 = tpu.memref_slice %arg9[%dma_start3A_47, %dma_start3A_48] : memref<128x128xf32, #tpu.memory_space<vmem>> -> memref<128x128xf32, #tpu.memory_space<vmem>>
      %dma_start3A_50 = arith.constant 0 : i32
      %dma_start3A_51 = tpu.memref_slice %arg6[%add3A_36, %dma_start3A_50] : memref<10240x128xf32, #tpu.memory_space<vmem_shared>> -> memref<128x128xf32, #tpu.memory_space<vmem_shared>>
      tpu.enqueue_dma source(%dma_start3A_51 : memref<128x128xf32, #tpu.memory_space<vmem_shared>>) target(%dma_start3A_49 : memref<128x128xf32, #tpu.memory_space<vmem>>) target_semaphore(%run_scoped3A : memref<!tpu.dma_semaphore, #tpu.memory_space<semaphore_mem>>)
      %dma_wait3A = arith.constant 0 : i32
      %dma_wait3A_52 = arith.constant 0 : i32
      %dma_wait3A_53 = tpu.memref_slice %arg9[%dma_wait3A, %dma_wait3A_52] : memref<128x128xf32, #tpu.memory_space<vmem>> -> memref<128x128xf32, #tpu.memory_space<vmem>>
      %dma_wait3A_54 = arith.constant 0 : i32
      %dma_wait3A_55 = tpu.memref_slice %arg6[%add3A_36, %dma_wait3A_54] : memref<10240x128xf32, #tpu.memory_space<vmem_shared>> -> memref<128x128xf32, #tpu.memory_space<vmem_shared>>
      %dma_wait3A_56 = arith.constant 0 : i32
      %dma_wait3A_57 = arith.constant 0 : i32
      %dma_wait3A_58 = tpu.memref_slice %arg9[%dma_wait3A_56, %dma_wait3A_57] : memref<128x128xf32, #tpu.memory_space<vmem>> -> memref<128x128xf32, #tpu.memory_space<vmem>>
      %dma_wait3A_59 = arith.constant 0 : i32
      %dma_wait3A_60 = tpu.memref_slice %arg6[%add3A_36, %dma_wait3A_59] : memref<10240x128xf32, #tpu.memory_space<vmem_shared>> -> memref<128x128xf32, #tpu.memory_space<vmem_shared>>
      tpu.wait_dma2 semaphore(%run_scoped3A : memref<!tpu.dma_semaphore, #tpu.memory_space<semaphore_mem>>) src(%dma_wait3A_60 : memref<128x128xf32, #tpu.memory_space<vmem_shared>>) dst(%dma_wait3A_58 : memref<128x128xf32, #tpu.memory_space<vmem>>)
      tpu.yield
    }) : () -> ()
    %add3A_37 = arith.constant 384 : i32
    %add3A_38 = arith.addi %mul3A_2, %add3A_37 : i32
    "tpu.region"() ({
      %run_scoped3A = tpu.sem_alloc : memref<!tpu.dma_semaphore, #tpu.memory_space<semaphore_mem>>
      %dma_start3A = arith.constant 0 : i32
      %dma_start3A_43 = arith.constant 0 : i32
      %dma_start3A_44 = tpu.memref_slice %arg9[%dma_start3A, %dma_start3A_43] : memref<128x128xf32, #tpu.memory_space<vmem>> -> memref<128x128xf32, #tpu.memory_space<vmem>>
      %dma_start3A_45 = arith.constant 0 : i32
      %dma_start3A_46 = tpu.memref_slice %arg5[%arg0, %add3A_38, %dma_start3A_45] : memref<2x10240x128xf32, #tpu.memory_space<hbm>> -> memref<1x128x128xf32, #tpu.memory_space<hbm>>
      %dma_start3A_47 = tpu.memref_squeeze %dma_start3A_46 : memref<1x128x128xf32, #tpu.memory_space<hbm>> -> memref<128x128xf32, #tpu.memory_space<hbm>>
      %dma_start3A_48 = arith.constant 0 : i32
      %dma_start3A_49 = tpu.memref_slice %arg5[%arg0, %add3A_38, %dma_start3A_48] : memref<2x10240x128xf32, #tpu.memory_space<hbm>> -> memref<1x128x128xf32, #tpu.memory_space<hbm>>
      %dma_start3A_50 = tpu.memref_squeeze %dma_start3A_49 : memref<1x128x128xf32, #tpu.memory_space<hbm>> -> memref<128x128xf32, #tpu.memory_space<hbm>>
      %dma_start3A_51 = arith.constant 0 : i32
      %dma_start3A_52 = arith.constant 0 : i32
      %dma_start3A_53 = tpu.memref_slice %arg9[%dma_start3A_51, %dma_start3A_52] : memref<128x128xf32, #tpu.memory_space<vmem>> -> memref<128x128xf32, #tpu.memory_space<vmem>>
      tpu.enqueue_dma source(%dma_start3A_53 : memref<128x128xf32, #tpu.memory_space<vmem>>) target(%dma_start3A_50 : memref<128x128xf32, #tpu.memory_space<hbm>>) target_semaphore(%run_scoped3A : memref<!tpu.dma_semaphore, #tpu.memory_space<semaphore_mem>>)
      %dma_wait3A = arith.constant 0 : i32
      %dma_wait3A_54 = arith.constant 0 : i32
      %dma_wait3A_55 = tpu.memref_slice %arg9[%dma_wait3A, %dma_wait3A_54] : memref<128x128xf32, #tpu.memory_space<vmem>> -> memref<128x128xf32, #tpu.memory_space<vmem>>
      %dma_wait3A_56 = arith.constant 0 : i32
      %dma_wait3A_57 = tpu.memref_slice %arg5[%arg0, %add3A_38, %dma_wait3A_56] : memref<2x10240x128xf32, #tpu.memory_space<hbm>> -> memref<1x128x128xf32, #tpu.memory_space<hbm>>
      %dma_wait3A_58 = tpu.memref_squeeze %dma_wait3A_57 : memref<1x128x128xf32, #tpu.memory_space<hbm>> -> memref<128x128xf32, #tpu.memory_space<hbm>>
      %dma_wait3A_59 = arith.constant 0 : i32
      %dma_wait3A_60 = tpu.memref_slice %arg5[%arg0, %add3A_38, %dma_wait3A_59] : memref<2x10240x128xf32, #tpu.memory_space<hbm>> -> memref<1x128x128xf32, #tpu.memory_space<hbm>>
      %dma_wait3A_61 = tpu.memref_squeeze %dma_wait3A_60 : memref<1x128x128xf32, #tpu.memory_space<hbm>> -> memref<128x128xf32, #tpu.memory_space<hbm>>
      %dma_wait3A_62 = arith.constant 0 : i32
      %dma_wait3A_63 = arith.constant 0 : i32
      %dma_wait3A_64 = tpu.memref_slice %arg9[%dma_wait3A_62, %dma_wait3A_63] : memref<128x128xf32, #tpu.memory_space<vmem>> -> memref<128x128xf32, #tpu.memory_space<vmem>>
      tpu.wait_dma2 semaphore(%run_scoped3A : memref<!tpu.dma_semaphore, #tpu.memory_space<semaphore_mem>>) src(%dma_wait3A_64 : memref<128x128xf32, #tpu.memory_space<vmem>>) dst(%dma_wait3A_61 : memref<128x128xf32, #tpu.memory_space<hbm>>)
      tpu.yield
    }) : () -> ()
    %add3A_39 = arith.constant 512 : i32
    %add3A_40 = arith.addi %mul3A_2, %add3A_39 : i32
    "tpu.region"() ({
      %run_scoped3A = tpu.sem_alloc : memref<!tpu.dma_semaphore, #tpu.memory_space<semaphore_mem>>
      %dma_start3A = arith.constant 0 : i32
      %dma_start3A_43 = arith.constant 0 : i32
      %dma_start3A_44 = tpu.memref_slice %arg9[%dma_start3A, %dma_start3A_43] : memref<128x128xf32, #tpu.memory_space<vmem>> -> memref<128x128xf32, #tpu.memory_space<vmem>>
      %dma_start3A_45 = arith.constant 0 : i32
      %dma_start3A_46 = tpu.memref_slice %arg6[%add3A_40, %dma_start3A_45] : memref<10240x128xf32, #tpu.memory_space<vmem_shared>> -> memref<128x128xf32, #tpu.memory_space<vmem_shared>>
      %dma_start3A_47 = arith.constant 0 : i32
      %dma_start3A_48 = arith.constant 0 : i32
      %dma_start3A_49 = tpu.memref_slice %arg9[%dma_start3A_47, %dma_start3A_48] : memref<128x128xf32, #tpu.memory_space<vmem>> -> memref<128x128xf32, #tpu.memory_space<vmem>>
      %dma_start3A_50 = arith.constant 0 : i32
      %dma_start3A_51 = tpu.memref_slice %arg6[%add3A_40, %dma_start3A_50] : memref<10240x128xf32, #tpu.memory_space<vmem_shared>> -> memref<128x128xf32, #tpu.memory_space<vmem_shared>>
      tpu.enqueue_dma source(%dma_start3A_51 : memref<128x128xf32, #tpu.memory_space<vmem_shared>>) target(%dma_start3A_49 : memref<128x128xf32, #tpu.memory_space<vmem>>) target_semaphore(%run_scoped3A : memref<!tpu.dma_semaphore, #tpu.memory_space<semaphore_mem>>)
      %dma_wait3A = arith.constant 0 : i32
      %dma_wait3A_52 = arith.constant 0 : i32
      %dma_wait3A_53 = tpu.memref_slice %arg9[%dma_wait3A, %dma_wait3A_52] : memref<128x128xf32, #tpu.memory_space<vmem>> -> memref<128x128xf32, #tpu.memory_space<vmem>>
      %dma_wait3A_54 = arith.constant 0 : i32
      %dma_wait3A_55 = tpu.memref_slice %arg6[%add3A_40, %dma_wait3A_54] : memref<10240x128xf32, #tpu.memory_space<vmem_shared>> -> memref<128x128xf32, #tpu.memory_space<vmem_shared>>
      %dma_wait3A_56 = arith.constant 0 : i32
      %dma_wait3A_57 = arith.constant 0 : i32
      %dma_wait3A_58 = tpu.memref_slice %arg9[%dma_wait3A_56, %dma_wait3A_57] : memref<128x128xf32, #tpu.memory_space<vmem>> -> memref<128x128xf32, #tpu.memory_space<vmem>>
      %dma_wait3A_59 = arith.constant 0 : i32
      %dma_wait3A_60 = tpu.memref_slice %arg6[%add3A_40, %dma_wait3A_59] : memref<10240x128xf32, #tpu.memory_space<vmem_shared>> -> memref<128x128xf32, #tpu.memory_space<vmem_shared>>
      tpu.wait_dma2 semaphore(%run_scoped3A : memref<!tpu.dma_semaphore, #tpu.memory_space<semaphore_mem>>) src(%dma_wait3A_60 : memref<128x128xf32, #tpu.memory_space<vmem_shared>>) dst(%dma_wait3A_58 : memref<128x128xf32, #tpu.memory_space<vmem>>)
      tpu.yield
    }) : () -> ()
    %add3A_41 = arith.constant 512 : i32
    %add3A_42 = arith.addi %mul3A_2, %add3A_41 : i32
    "tpu.region"() ({
      %run_scoped3A = tpu.sem_alloc : memref<!tpu.dma_semaphore, #tpu.memory_space<semaphore_mem>>
      %dma_start3A = arith.constant 0 : i32
      %dma_start3A_43 = arith.constant 0 : i32
      %dma_start3A_44 = tpu.memref_slice %arg9[%dma_start3A, %dma_start3A_43] : memref<128x128xf32, #tpu.memory_space<vmem>> -> memref<128x128xf32, #tpu.memory_space<vmem>>
      %dma_start3A_45 = arith.constant 0 : i32
      %dma_start3A_46 = tpu.memref_slice %arg5[%arg0, %add3A_42, %dma_start3A_45] : memref<2x10240x128xf32, #tpu.memory_space<hbm>> -> memref<1x128x128xf32, #tpu.memory_space<hbm>>
      %dma_start3A_47 = tpu.memref_squeeze %dma_start3A_46 : memref<1x128x128xf32, #tpu.memory_space<hbm>> -> memref<128x128xf32, #tpu.memory_space<hbm>>
      %dma_start3A_48 = arith.constant 0 : i32
      %dma_start3A_49 = tpu.memref_slice %arg5[%arg0, %add3A_42, %dma_start3A_48] : memref<2x10240x128xf32, #tpu.memory_space<hbm>> -> memref<1x128x128xf32, #tpu.memory_space<hbm>>
      %dma_start3A_50 = tpu.memref_squeeze %dma_start3A_49 : memref<1x128x128xf32, #tpu.memory_space<hbm>> -> memref<128x128xf32, #tpu.memory_space<hbm>>
      %dma_start3A_51 = arith.constant 0 : i32
      %dma_start3A_52 = arith.constant 0 : i32
      %dma_start3A_53 = tpu.memref_slice %arg9[%dma_start3A_51, %dma_start3A_52] : memref<128x128xf32, #tpu.memory_space<vmem>> -> memref<128x128xf32, #tpu.memory_space<vmem>>
      tpu.enqueue_dma source(%dma_start3A_53 : memref<128x128xf32, #tpu.memory_space<vmem>>) target(%dma_start3A_50 : memref<128x128xf32, #tpu.memory_space<hbm>>) target_semaphore(%run_scoped3A : memref<!tpu.dma_semaphore, #tpu.memory_space<semaphore_mem>>)
      %dma_wait3A = arith.constant 0 : i32
      %dma_wait3A_54 = arith.constant 0 : i32
      %dma_wait3A_55 = tpu.memref_slice %arg9[%dma_wait3A, %dma_wait3A_54] : memref<128x128xf32, #tpu.memory_space<vmem>> -> memref<128x128xf32, #tpu.memory_space<vmem>>
      %dma_wait3A_56 = arith.constant 0 : i32
      %dma_wait3A_57 = tpu.memref_slice %arg5[%arg0, %add3A_42, %dma_wait3A_56] : memref<2x10240x128xf32, #tpu.memory_space<hbm>> -> memref<1x128x128xf32, #tpu.memory_space<hbm>>
      %dma_wait3A_58 = tpu.memref_squeeze %dma_wait3A_57 : memref<1x128x128xf32, #tpu.memory_space<hbm>> -> memref<128x128xf32, #tpu.memory_space<hbm>>
      %dma_wait3A_59 = arith.constant 0 : i32
      %dma_wait3A_60 = tpu.memref_slice %arg5[%arg0, %add3A_42, %dma_wait3A_59] : memref<2x10240x128xf32, #tpu.memory_space<hbm>> -> memref<1x128x128xf32, #tpu.memory_space<hbm>>
      %dma_wait3A_61 = tpu.memref_squeeze %dma_wait3A_60 : memref<1x128x128xf32, #tpu.memory_space<hbm>> -> memref<128x128xf32, #tpu.memory_space<hbm>>
      %dma_wait3A_62 = arith.constant 0 : i32
      %dma_wait3A_63 = arith.constant 0 : i32
      %dma_wait3A_64 = tpu.memref_slice %arg9[%dma_wait3A_62, %dma_wait3A_63] : memref<128x128xf32, #tpu.memory_space<vmem>> -> memref<128x128xf32, #tpu.memory_space<vmem>>
      tpu.wait_dma2 semaphore(%run_scoped3A : memref<!tpu.dma_semaphore, #tpu.memory_space<semaphore_mem>>) src(%dma_wait3A_64 : memref<128x128xf32, #tpu.memory_space<vmem>>) dst(%dma_wait3A_61 : memref<128x128xf32, #tpu.memory_space<hbm>>)
      tpu.yield
    }) : () -> ()
    return
  }
}

module attributes {stable_mosaic.version = 14 : i64} {
  func.func @_tc_xw_body(%arg0: i32, %arg1: memref<2560x128xf32, #tpu.memory_space<vmem>>, %arg2: memref<128x128xf32, #tpu.memory_space<vmem>>, %arg3: memref<2560x128xf32, #tpu.memory_space<vmem>>) attributes {dimension_semantics = [#tpu.dimension_semantics<arbitrary>], iteration_bounds = array<i64: 4>, scalar_prefetch = 0 : i64, scratch_operands = 0 : i64, tpu.core_type = #tpu.core_type<tc>, window_params = [{transform_indices = @transform_0, window_bounds = array<i64: 2560, 128>}, {pipeline_mode = #tpu.pipeline_mode<synchronous>, transform_indices = @transform_1, window_bounds = array<i64: 128, 128>}, {transform_indices = @transform_2, window_bounds = array<i64: 2560, 128>}]} {
    %get3A = arith.constant 0 : index
    %get3A_0 = arith.constant 0 : index
    %get3A_1 = vector.load %arg1[%get3A, %get3A_0] : memref<2560x128xf32, #tpu.memory_space<vmem>>, vector<2560x128xf32>
    %get3A_2 = arith.constant 0 : index
    %get3A_3 = arith.constant 0 : index
    %get3A_4 = vector.load %arg2[%get3A_2, %get3A_3] : memref<128x128xf32, #tpu.memory_space<vmem>>, vector<128x128xf32>
    %dot_general3A = arith.constant dense<0.000000e+00> : vector<2560x128xf32>
    %dot_general3A_5 = tpu.matmul %get3A_1, %get3A_4, %dot_general3A {dimension_numbers = #tpu.dot_dimension_numbers<[1], [0], [0], [1], [0, 0, 1, 1], [], []>, transpose_lhs_hint = false} : vector<2560x128xf32>, vector<128x128xf32>, vector<2560x128xf32> -> vector<2560x128xf32>
    %swap3A = arith.constant 0 : index
    %swap3A_6 = arith.constant 0 : index
    %swap3A_7 = vector.load %arg3[%swap3A, %swap3A_6] : memref<2560x128xf32, #tpu.memory_space<vmem>>, vector<2560x128xf32>
    tpu.vector_store %arg3[%swap3A, %swap3A_6], %dot_general3A_5 {strides = array<i32>} : memref<2560x128xf32, #tpu.memory_space<vmem>>, vector<2560x128xf32>,
    return
  }
  func.func @transform_0(%arg0: i32) -> (i32, i32) {
    %c0_i32 = arith.constant 0 : i32
    %c0_i32_0 = arith.constant 0 : i32
    return %arg0, %c0_i32 : i32, i32
  }
  func.func @transform_1(%arg0: i32) -> (i32, i32) {
    %c0_i32 = arith.constant 0 : i32
    %c0_i32_0 = arith.constant 0 : i32
    %c0_i32_1 = arith.constant 0 : i32
    return %c0_i32, %c0_i32_0 : i32, i32
  }
  func.func @transform_2(%arg0: i32) -> (i32, i32) {
    %c0_i32 = arith.constant 0 : i32
    %c0_i32_0 = arith.constant 0 : i32
    return %arg0, %c0_i32 : i32, i32
  }
}

module attributes {stable_mosaic.version = 14 : i64} {
  func.func @_tc_scale_body(%arg0: i32, %arg1: memref<2560x128xf32, #tpu.memory_space<vmem>>, %arg2: memref<2x2560x16xf32, #tpu.memory_space<vmem>>, %arg3: memref<2560x128xf32, #tpu.memory_space<vmem>>) attributes {dimension_semantics = [#tpu.dimension_semantics<arbitrary>], iteration_bounds = array<i64: 4>, scalar_prefetch = 0 : i64, scratch_operands = 0 : i64, tpu.core_type = #tpu.core_type<tc>, window_params = [{transform_indices = @transform_0, window_bounds = array<i64: 2560, 128>}, {transform_indices = @transform_1, window_bounds = array<i64: 2, 2560, 16>}, {transform_indices = @transform_2, window_bounds = array<i64: 2560, 128>}]} {
    %get3A = arith.constant 0 : index
    %get3A_0 = arith.constant 0 : index
    %get3A_1 = arith.constant 0 : index
    %get3A_2 = vector.load %arg2[%get3A, %get3A_0, %get3A_1] : memref<2x2560x16xf32, #tpu.memory_space<vmem>>, vector<1x2560x1xf32>
    %get3A_3 = vector.shape_cast %get3A_2 : vector<1x2560x1xf32> to vector<2560xf32>
    %get3A_4 = arith.constant 1 : index
    %get3A_5 = arith.constant 0 : index
    %get3A_6 = arith.constant 0 : index
    %get3A_7 = vector.load %arg2[%get3A_4, %get3A_5, %get3A_6] : memref<2x2560x16xf32, #tpu.memory_space<vmem>>, vector<1x2560x1xf32>
    %get3A_8 = vector.shape_cast %get3A_7 : vector<1x2560x1xf32> to vector<2560xf32>
    %add3A = arith.addf %get3A_3, %get3A_8 : vector<2560xf32>
    %add3A_9 = arith.constant 1.000000e+00 : f32
    %add3A_10 = vector.broadcast %add3A_9 : f32 to vector<2560xf32>
    %add3A_11 = arith.addf %add3A, %add3A_10 : vector<2560xf32>
    %rsqrt3A = math.rsqrt %add3A_11 : vector<2560xf32>
    %get3A_12 = arith.constant 0 : index
    %get3A_13 = arith.constant 0 : index
    %get3A_14 = vector.load %arg1[%get3A_12, %get3A_13] : memref<2560x128xf32, #tpu.memory_space<vmem>>, vector<2560x128xf32>
    %broadcast_in_dim3A = vector.shape_cast %rsqrt3A : vector<2560xf32> to vector<2560x1xf32>
    %mul3A = vector.broadcast %broadcast_in_dim3A : vector<2560x1xf32> to vector<2560x128xf32>
    %mul3A_15 = arith.mulf %get3A_14, %mul3A : vector<2560x128xf32>
    %swap3A = arith.constant 0 : index
    %swap3A_16 = arith.constant 0 : index
    %swap3A_17 = vector.load %arg3[%swap3A, %swap3A_16] : memref<2560x128xf32, #tpu.memory_space<vmem>>, vector<2560x128xf32>
    tpu.vector_store %arg3[%swap3A, %swap3A_16], %mul3A_15 {strides = array<i32>} : memref<2560x128xf32, #tpu.memory_space<vmem>>, vector<2560x128xf32>,
    return
  }
  func.func @transform_0(%arg0: i32) -> (i32, i32) {
    %c0_i32 = arith.constant 0 : i32
    %c0_i32_0 = arith.constant 0 : i32
    return %arg0, %c0_i32 : i32, i32
  }
  func.func @transform_1(%arg0: i32) -> (i32, i32, i32) {
    %c0_i32 = arith.constant 0 : i32
    %c0_i32_0 = arith.constant 0 : i32
    %c0_i32_1 = arith.constant 0 : i32
    return %c0_i32, %arg0, %c0_i32_0 : i32, i32, i32
  }
  func.func @transform_2(%arg0: i32) -> (i32, i32) {
    %c0_i32 = arith.constant 0 : i32
    %c0_i32_0 = arith.constant 0 : i32
    return %arg0, %c0_i32 : i32, i32
  }
}

module attributes {stable_mosaic.version = 14 : i64} {
  func.func @_tc_final_body(%arg0: i32, %arg1: memref<2x2000x128xf32, #tpu.memory_space<vmem>>, %arg2: memref<2000x128xf32, #tpu.memory_space<vmem>>, %arg3: memref<2x2000x16xf32, #tpu.memory_space<vmem>>, %arg4: memref<1x128xf32, #tpu.memory_space<vmem>>, %arg5: memref<2000x128xf32, #tpu.memory_space<vmem>>) attributes {dimension_semantics = [#tpu.dimension_semantics<arbitrary>], iteration_bounds = array<i64: 5>, scalar_prefetch = 0 : i64, scratch_operands = 0 : i64, tpu.core_type = #tpu.core_type<tc>, window_params = [{transform_indices = @transform_0, window_bounds = array<i64: 2, 2000, 128>}, {transform_indices = @transform_1, window_bounds = array<i64: 2000, 128>}, {transform_indices = @transform_2, window_bounds = array<i64: 2, 2000, 16>}, {pipeline_mode = #tpu.pipeline_mode<synchronous>, transform_indices = @transform_3, window_bounds = array<i64: 1, 128>}, {transform_indices = @transform_4, window_bounds = array<i64: 2000, 128>}]} {
    %get3A = arith.constant 0 : index
    %get3A_0 = arith.constant 0 : index
    %get3A_1 = arith.constant 0 : index
    %get3A_2 = vector.load %arg3[%get3A, %get3A_0, %get3A_1] : memref<2x2000x16xf32, #tpu.memory_space<vmem>>, vector<1x2000x1xf32>
    %get3A_3 = vector.shape_cast %get3A_2 : vector<1x2000x1xf32> to vector<2000xf32>
    %get3A_4 = arith.constant 1 : index
    %get3A_5 = arith.constant 0 : index
    %get3A_6 = arith.constant 0 : index
    %get3A_7 = vector.load %arg3[%get3A_4, %get3A_5, %get3A_6] : memref<2x2000x16xf32, #tpu.memory_space<vmem>>, vector<1x2000x1xf32>
    %get3A_8 = vector.shape_cast %get3A_7 : vector<1x2000x1xf32> to vector<2000xf32>
    %add3A = arith.addf %get3A_3, %get3A_8 : vector<2000xf32>
    %add3A_9 = arith.constant 1.000000e+00 : f32
    %add3A_10 = vector.broadcast %add3A_9 : f32 to vector<2000xf32>
    %add3A_11 = arith.addf %add3A, %add3A_10 : vector<2000xf32>
    %rsqrt3A = math.rsqrt %add3A_11 : vector<2000xf32>
    %get3A_12 = arith.constant 0 : index
    %get3A_13 = arith.constant 0 : index
    %get3A_14 = arith.constant 0 : index
    %get3A_15 = vector.load %arg1[%get3A_12, %get3A_13, %get3A_14] : memref<2x2000x128xf32, #tpu.memory_space<vmem>>, vector<1x2000x128xf32>
    %get3A_16 = vector.shape_cast %get3A_15 : vector<1x2000x128xf32> to vector<2000x128xf32>
    %get3A_17 = arith.constant 1 : index
    %get3A_18 = arith.constant 0 : index
    %get3A_19 = arith.constant 0 : index
    %get3A_20 = vector.load %arg1[%get3A_17, %get3A_18, %get3A_19] : memref<2x2000x128xf32, #tpu.memory_space<vmem>>, vector<1x2000x128xf32>
    %get3A_21 = vector.shape_cast %get3A_20 : vector<1x2000x128xf32> to vector<2000x128xf32>
    %add3A_22 = arith.addf %get3A_16, %get3A_21 : vector<2000x128xf32>
    %get3A_23 = arith.constant 0 : index
    %get3A_24 = arith.constant 0 : index
    %get3A_25 = vector.load %arg2[%get3A_23, %get3A_24] : memref<2000x128xf32, #tpu.memory_space<vmem>>, vector<2000x128xf32>
    %add3A_26 = arith.addf %add3A_22, %get3A_25 : vector<2000x128xf32>
    %broadcast_in_dim3A = vector.shape_cast %rsqrt3A : vector<2000xf32> to vector<2000x1xf32>
    %mul3A = vector.broadcast %broadcast_in_dim3A : vector<2000x1xf32> to vector<2000x128xf32>
    %mul3A_27 = arith.mulf %add3A_26, %mul3A : vector<2000x128xf32>
    %get3A_28 = arith.constant 0 : index
    %get3A_29 = arith.constant 0 : index
    %get3A_30 = vector.load %arg4[%get3A_28, %get3A_29] : memref<1x128xf32, #tpu.memory_space<vmem>>, vector<1x128xf32>
    %add3A_31 = vector.broadcast %get3A_30 : vector<1x128xf32> to vector<2000x128xf32>
    %add3A_32 = arith.addf %mul3A_27, %add3A_31 : vector<2000x128xf32>
    %mul3A_33 = arith.mulf %add3A_32, %add3A_32 : vector<2000x128xf32>
    %reduce_sum3A = arith.constant dense<0.000000e+00> : vector<2000xf32>
    %reduce_sum3A_34 = vector.multi_reduction <add>, %mul3A_33, %reduce_sum3A [1] : vector<2000x128xf32> to vector<2000xf32>
    %broadcast_in_dim3A_35 = vector.shape_cast %reduce_sum3A_34 : vector<2000xf32> to vector<2000x1xf32>
    %sqrt3A = math.sqrt %broadcast_in_dim3A_35 : vector<2000x1xf32>
    %max3A = arith.constant 9.99999996E-13 : f32
    %max3A_36 = vector.broadcast %max3A : f32 to vector<2000x1xf32>
    %max3A_37 = arith.maximumf %sqrt3A, %max3A_36 : vector<2000x1xf32>
    %div3A = vector.broadcast %max3A_37 : vector<2000x1xf32> to vector<2000x128xf32>
    %div3A_38 = arith.divf %add3A_32, %div3A : vector<2000x128xf32>
    %swap3A = arith.constant 0 : index
    %swap3A_39 = arith.constant 0 : index
    %swap3A_40 = vector.load %arg5[%swap3A, %swap3A_39] : memref<2000x128xf32, #tpu.memory_space<vmem>>, vector<2000x128xf32>
    tpu.vector_store %arg5[%swap3A, %swap3A_39], %div3A_38 {strides = array<i32>} : memref<2000x128xf32, #tpu.memory_space<vmem>>, vector<2000x128xf32>,
    return
  }
  func.func @transform_0(%arg0: i32) -> (i32, i32, i32) {
    %c0_i32 = arith.constant 0 : i32
    %c0_i32_0 = arith.constant 0 : i32
    %c0_i32_1 = arith.constant 0 : i32
    return %c0_i32, %arg0, %c0_i32_0 : i32, i32, i32
  }
  func.func @transform_1(%arg0: i32) -> (i32, i32) {
    %c0_i32 = arith.constant 0 : i32
    %c0_i32_0 = arith.constant 0 : i32
    return %arg0, %c0_i32 : i32, i32
  }
  func.func @transform_2(%arg0: i32) -> (i32, i32, i32) {
    %c0_i32 = arith.constant 0 : i32
    %c0_i32_0 = arith.constant 0 : i32
    %c0_i32_1 = arith.constant 0 : i32
    return %c0_i32, %arg0, %c0_i32_0 : i32, i32, i32
  }
  func.func @transform_3(%arg0: i32) -> (i32, i32) {
    %c0_i32 = arith.constant 0 : i32
    %c0_i32_0 = arith.constant 0 : i32
    %c0_i32_1 = arith.constant 0 : i32
    return %c0_i32, %c0_i32_0 : i32, i32
  }
  func.func @transform_4(%arg0: i32) -> (i32, i32) {
    %c0_i32 = arith.constant 0 : i32
    %c0_i32_0 = arith.constant 0 : i32
    return %arg0, %c0_i32 : i32, i32
  }
}

</mosaic_0001>

<sc_bundles>
// kernel: kernel.10.cloned.1.call-start
scs
__scs_entry_jumppad:
0x0: {  	(pc) =	sbr.rel $0x88, $3  }
0x1: {  	(tag) =	ssettag $0x0;
	lr =	simm.s32 $0x1  }
0x2: {  	[smem:$0x3F9D] =	sst lr;
	_ =	strace $0xD0000000  }
0x3: {  	_ = 	snop  }
0x4: {  	_ = 	snop  }
0x5: {  	_ = 	snop  }
0x6: {  	_ = 	snop  }
0x7: {  	_ = 	snop  }
__scs_overlays_trampoline_lowered:
0x8: {  	[smem:$0x3FAC] =	sst s0  }
0x9: {  	[smem:$0x3FAD] =	sst s1  }
0xa: {  	[smem:$0x3FAE] =	sst s2  }
0xb: {  	[smem:$0x3FAF] =	sst s3  }
0xc: {  	[smem:$0x3FB0] =	sst s4  }
0xd: {  	[smem:$0x3FB1] =	sst s5  }
0xe: {  	[smem:$0x3FB2] =	sst s6  }
0xf: {  	[smem:$0x3FB3] =	sst s7  }
0x10: {  	[smem:$0x3FB4] =	sst s8  }
0x11: {  	[smem:$0x3FB5] =	sst s9;
	s0 =	simm.s32 @!p0 $0x0  }
0x12: {  	s1 =	sld [smem:$0x3F9B];
	s0 =	simm.s32 @p0 $0x1  }
0x13: {  	[smem:$0x3FB6] =	sst s0;
	s0 =	simm.s32 @!p1 $0x0  }
0x14: {  	s2 =	sld [smem:$0x3F9A];
	s0 =	simm.s32 @p1 $0x1  }
0x15: {  	[smem:$0x3FB7] =	sst s0;
	s0 =	simm.s32 @!p2 $0x0  }
0x16: {  	s3 =	sld [smem:$0x3FDB];
	s0 =	simm.s32 @p2 $0x1  }
0x17: {  	s4 =	simm.s32 $0x1BF5;
	[smem:$0x3FB9] =	sst s0  }
0x18: {  	s0 =	sld [smem:$0x3F9C];
	_ =	swait.ge [sflag:s4], $0x0  }
0x19: {  	s7 =	sld [smem:$0x3F9D]  }
0x1a: {  	s8 =	sadd.s32 $0xFFFFE003, lr  }
0x1b: {  	s9 =	sadd.s32 $0xFFFFFEF7, lr;
	s5 =	simm.s32 $0xFFFFFFFF;
	p2 =	slt.u32 s8, $0xFFFFF086  }
0x1c: {  	p1 =	slt.u32 s9, $0xF7A;
	s5 =	simm.s32 @!p2 $0x0  }
0x1d: {  	s5 =	simm.s32 @p1 $0x1;
	p0 =	seq.s32 s7, s2  }
0x1e: {  	s7 =	smul.u32 @!p0 $0xF7A, s2;
	p2 =	seq.s32 @!p0 s5, $0x0  }
0x1f: {  	s9 =	smul.u32 $0xF7A, s1;
	s8 =	simm.s32 @!p0 $0x1BF5;
	p2 =	por !p2, p0  }
0x20: {  	[sflag:s8] =	ssyncset.s32 @!p0 $0xFFFFF086;
	s6 =	sadd.s32 @!p0 s3, s7;
	s7 =	simm.s32 @!p0 $0x108  }
0x21: {  	s3 =	sadd.s32 s3, s9;
	s6 =	sadd.s32 @!p0 $0x88, s6;
	s7 =	simm.s32 @p2 $0x1082  }
0x22: {  	[simem:s7], [sflag:s8] =	dma.local @!p0 [hbm:s6], $0xF7A  }
0x23: {  	s9 =	sor.u32 $0xD0000000, s2;
	s6 =	simm.s32 $0x108;
	_ =	swait.ge @!p0 [sflag:s8], $0x0  }
0x24: {  	s3 =	sadd.s32 $0x88, s3;
	s6 =	simm.s32 @!p1 $0x1082;
	[sflag:s4] =	ssyncset.s32 $0xFFFFF086  }
0x25: {  	[simem:s6], [sflag:s4] =	dma.local [hbm:s3], $0xF7A  }
0x26: {  	[smem:$0x3F9D] =	sst s1;
	(tag) =	ssettag s2;
	_ =	strace s9  }
0x27: {  	s1 =	sld [smem:$0x3FAD]  }
0x28: {  	s2 =	sld [smem:$0x3FAE]  }
0x29: {  	s4 =	sld [smem:$0x3FB0]  }
0x2a: {  	p0 =	seq.s32 s5, $0x0;
	s5 =	sld [smem:$0x3FB1]  }
0x2b: {  	s6 =	sld [smem:$0x3FB2]  }
0x2c: {  	s7 =	sld [smem:$0x3FB3]  }
0x2d: {  	s3 =	simm.s32 $0x108;
	s8 =	sld [smem:$0x3FB4]  }
0x2e: {  	s3 =	simm.s32 @!p0 $0x1082;
	s9 =	sld [smem:$0x3FB5]  }
0x2f: {  	lr =	sadd.s32 s0, s3;
	s0 =	sld [smem:$0x3FAC]  }
0x30: {  	s3 =	sld [smem:$0x3FAF]  }
0x31: {  	[smem:$0x3FB8] =	sst s10  }
0x32: {  	s10 =	sld [smem:$0x3FB6];
	_ =	sdelay $0x3  }
0x33: {  	p0 =	seq.s32 s10, $0x1;
	s10 =	sld [smem:$0x3FB8];
	_ =	sdelay $0x3  }
0x34: {  	[smem:$0x3FB8] =	sst s10  }
0x35: {  	s10 =	sld [smem:$0x3FB7];
	_ =	sdelay $0x3  }
0x36: {  	p1 =	seq.s32 s10, $0x1;
	s10 =	sld [smem:$0x3FB8];
	_ =	sdelay $0x3  }
0x37: {  	[smem:$0x3FB8] =	sst s10  }
0x38: {  	s10 =	sld [smem:$0x3FB9]  }
0x39: {  	_ = 	snop;
	(pc) =	sbr.ind lr, $3  }
0x3a: {  	_ = 	snop  }
0x3b: {  	_ = 	snop  }
0x3c: {  	p2 =	seq.s32 s10, $0x1;
	s10 =	sld [smem:$0x3FB8]  }
0x3d: {  	_ =	shalt  }
0x3e: {  	_ =	shalt  }
0x3f: {  	_ =	shalt  }
0x40: {  	_ =	shalt  }
0x41: {  	_ =	shalt  }
0x42: {  	_ =	shalt  }
0x43: {  	_ =	shalt  }
0x44: {  	_ =	shalt  }
0x45: {  	_ =	shalt  }
0x46: {  	_ =	shalt  }
0x47: {  	_ =	shalt  }
0x48: {  	_ =	shalt  }
0x49: {  	_ =	shalt  }
0x4a: {  	_ =	shalt  }
0x4b: {  	_ =	shalt  }
0x4c: {  	_ =	shalt  }
0x4d: {  	_ =	shalt  }
0x4e: {  	_ =	shalt  }
0x4f: {  	_ =	shalt  }
0x50: {  	_ =	shalt  }
0x51: {  	_ =	shalt  }
0x52: {  	_ =	shalt  }
0x53: {  	_ =	shalt  }
0x54: {  	_ =	shalt  }
0x55: {  	_ =	shalt  }
0x56: {  	_ =	shalt  }
0x57: {  	_ =	shalt  }
0x58: {  	_ =	shalt  }
0x59: {  	_ =	shalt  }
0x5a: {  	_ =	shalt  }
0x5b: {  	_ =	shalt  }
0x5c: {  	_ =	shalt  }
0x5d: {  	_ =	shalt  }
0x5e: {  	_ =	shalt  }
0x5f: {  	_ =	shalt  }
0x60: {  	_ =	shalt  }
0x61: {  	_ =	shalt  }
0x62: {  	_ =	shalt  }
0x63: {  	_ =	shalt  }
0x64: {  	_ =	shalt  }
0x65: {  	_ =	shalt  }
0x66: {  	_ =	shalt  }
0x67: {  	_ =	shalt  }
0x68: {  	_ =	shalt  }
0x69: {  	_ =	shalt  }
0x6a: {  	_ =	shalt  }
0x6b: {  	_ =	shalt  }
0x6c: {  	_ =	shalt  }
0x6d: {  	_ =	shalt  }
0x6e: {  	_ =	shalt  }
0x6f: {  	_ =	shalt  }
0x70: {  	_ =	shalt  }
0x71: {  	_ =	shalt  }
0x72: {  	_ =	shalt  }
0x73: {  	_ =	shalt  }
0x74: {  	_ =	shalt  }
0x75: {  	_ =	shalt  }
0x76: {  	_ =	shalt  }
0x77: {  	_ =	shalt  }
0x78: {  	_ =	shalt  }
0x79: {  	_ =	shalt  }
0x7a: {  	_ =	shalt  }
0x7b: {  	_ =	shalt  }
0x7c: {  	_ =	shalt  }
0x7d: {  	_ =	shalt  }
0x7e: {  	_ =	shalt  }
0x7f: {  	_ =	shalt  }
0x80: {  	_ =	shalt  }
0x81: {  	_ =	shalt  }
0x82: {  	_ =	shalt  }
0x83: {  	_ =	shalt  }
0x84: {  	_ =	shalt  }
0x85: {  	_ =	shalt  }
0x86: {  	_ =	shalt  }
0x87: {  	_ =	shalt  }
.Lfunc_end0:
.L_simem_size_0:
called_computation.1_lowered:
.L_overlay_start_0:
0x88: {  	s2 =	sld [smem:$0x3FD9]  }
0x89: {  	s3 =	sld [smem:$0x3FFE];
	_ =	sdelay $0x1  }
0x8a: {  	s1 =	srdreg.scid  }
0x8b: {  	s0 =	sand.u32 $0x1, s1  }
0x8c: {  	s17 =	sshll.u32 s0, $0xA;
	s2 =	sadd.s32 s3, s2  }
0x8d: {  	s2 =	sadd.s32 s2, s17  }
0x8e: {  	[smem:$0x3FC4] =	sst s2  }
0x8f: {  	_ = 	snop  }
0x90: {  	s2 =	sld [smem:$0x3FD0];
	(tm) =	ssettm $0x1  }
0x91: {  	s18 =	sld [smem:$0x3FFB];
	_ =	sdelay $0x3  }
0x92: {  	_ =	strace s18  }
0x93: {  	s3 =	sld [smem:$0x3FFC];
	_ =	sdelay $0x3  }
0x94: {  	_ =	strace s3  }
0x95: {  	s3 =	sld [smem:$0x3FFD];
	_ =	sdelay $0x3  }
0x96: {  	_ =	strace s3  }
0x97: {  	_ =	strace $0x8FFFFFFF  }
0x98: {  	s19 =	sld [smem:$0x3FDB];
	_ =	sdelay $0x1  }
0x99: {  	s4 =	simm.s32 $_scs_section_size  }
0x9a: {  	s5 =	simm.s32 $_size__tile_overlayer_lowered;
	s6 =	simm.s32 $_tile_overlayer_lowered  }
0x9b: {  	s22 =	simm.s32 $0x1BFF;
	s21 =	sshll.u32 s6, $0x1;
	s3 =	sadd.s32 s4, s19  }
0x9c: {  	s7 =	simm.s32 $0x0;
	s20 =	sshll.u32 s5, $0x1;
	s5 =	sadd.s32 s21, s3  }
0x9d: {  	[timem:s7], [sflag:s22] =	dma.local [hbm:s5], s20  }
0x9e: {  	_ =	swait.ge [sflag:s22], s20  }
0x9f: {  	s4 =	ssub.s32 $0x0, s20;
	[sflag:s22] =	ssyncset.done $0x0  }
0xa0: {  	[sflag:s22] =	ssyncadd.s32 s4;
	_ =	sdelay $0x1  }
0xa1: {  	s23 =	simm.s32 $0x1B8B  }
0xa2: {  	_ =	swait.ge [sflag:s23], $0x1  }
0xa3: {  	[sflag:s23] =	ssyncset.done $0x0  }
0xa4: {  	s25 =	simm.s32 $0x1B8E;
	s24 =	sld [smem:$0x3FFE];
	[sflag:s23] =	ssyncadd.s32 $0xFFFFFFFF  }
0xa5: {  	s26 =	simm.s32 $execute0_lowered;
	[smem:$0x3FD2] =	sst s25  }
0xa6: {  	s5 =	sshll.u32 s26, $0x1;
	_ =	strace $0x80000049;
	[dreg:$0x1] =	wrdreg $0xFFFFFFFF  }
0xa7: {  	s28 =	simm.s32 $_size_execute0_lowered;
	s3 =	sadd.s32 s3, s5;
	[dreg:$0x0] =	wrdreg $0x0  }
0xa8: {  	s5 =	sshll.u32 s28, $0x1;
	[dreg:$0x2] =	wrdreg s3  }
0xa9: {  	[dreg:$0x3] =	wrdreg s5  }
0xaa: {  	[dreg:$0x4] =	wrdreg $0xC0  }
0xab: {  	_ =	task [dreg:s7], $0x5FFFF  }
0xac: {  	[dreg:$0x1] =	wrdreg $0xFFFFFFFF  }
0xad: {  	[dreg:$0x0] =	wrdreg $0x60  }
0xae: {  	[dreg:$0x2] =	wrdreg s24  }
0xaf: {  	[dreg:$0x3] =	wrdreg s2  }
0xb0: {  	[dreg:$0x4] =	wrdreg $0x0  }
0xb1: {  	[dreg:$0x5] =	wrdreg $0x9  }
0xb2: {  	_ =	task.clear_ibuf [dreg:s7], $0x6FFFF;
	_ =	strace $0x90000049  }
0xb3: {  	s29 =	simm.s32 $0x9;
	_ =	strace $0x8000004B  }
0xb4: {  	_ =	swait.ge [sflag:s29], $0x1  }
0xb5: {  	[sflag:s29] =	ssyncadd.s32 $0xFFFFFFFF  }
0xb6: {  	_ =	strace $0x9000004B  }
0xb7: {  	_ =	sfence  }
0xb8: {  	s30 =	sld [smem:$0x0];
	_ =	sdelay $0x2  }
0xb9: {  	s31 =	sshll.u32 s1, $0xD;
	s1 =	sshrl.u32 s1, $0x2  }
0xba: {  	s3 =	sand.u32 $0x4000, s31;
	s1 =	sadd.s32 s1, s30  }
0xbb: {  	s0 =	sor.u32 s3, s0;
	s1 =	sshll.u32 s1, $0x11  }
0xbc: {  	s0 =	sor.u32 s1, s0  }
0xbd: {  	s0 =	sadd.s32 $0x8F2B, s0  }
0xbe: {  	[sflag:s0] =	ssyncadd.remote.s32 $0x1  }
0xbf: {  	_ =	sfence.sel $0xFFFF  }
0xc0: {  	[dreg:$0x0] =	wrdreg $0xFFFFFFFF;
	(pc) =	sbr.abs _section_cstart, $3  }
0xc1: {  	[dreg:$0x1] =	wrdreg $0xFFFFFFFF  }
0xc2: {  	_ =	task.clear_ibuf [dreg:s7], $0x2FFFF;
	_ =	strace $0x9FFFFFFF  }
0xc3: {  	(tm) =	ssettm $0x7FFFFFFF  }
tec
execute0_lowered:
.L_overlay_start_1:
0x0: {  	(tag) =	ssettag $0x1  }
0x1: {  	s5 =	rddreg [dreg:$0x0]  }
0x2: {  	s0 =	srdreg.scid;
	s10 =	rddreg [dreg:$0x1]  }
0x3: {  	s2 =	rddreg [dreg:$0x2];
	s1 =	stileid.u32;
	s3 =	simm.s32 $0x0  }
0x4: {  	s21 =	simm.s32 $0x16800;
	s22 =	simm.s32 $0x80;
	s23 =	simm.s32 $0x1  }
0x5: {  	s7 =	sand.u32 $0x1, s0;
	s0 =	rddreg [dreg:$0x3];
	s6 =	smul.u32 $0x50000, s1  }
0x6: {  	s24 =	simm.s32 $0x0;
	[smem:$0x7FF] =	sst s3;
	s13 =	smul.u32 $0x14000, s1  }
0x7: {  	s16 =	sadd.s32 $0x83C00, s5;
	s4 =	sshll.u32 s7, $0x4;
	_ =	strace $0x8000004A  }
0x8: {  	s8 =	ssub.s32 $0x2, s7;
	s18 =	smul.u32 $0x140000, s7;
	s4 =	sor.u32 s1, s4  }
0x9: {  	s28 =	sshrl.u32 s8, $0x1;
	s6 =	sshrl.u32 s6, $0x2;
	s14 =	sadd.s32 $0x4000, s13  }
0xa: {  	s15 =	sadd.s32 $0x8000, s13;
	s19 =	sadd.s32 $0xC000, s13;
	s20 =	sadd.s32 $0x10000, s13  }
0xb: {  	s11 =	smul.u32 $0x500, s4;
	s4 =	sadd.s32 $0x5BC00, s5;
	s17 =	ssub.s32 s8, s28  }
0xc: {  	s7 =	sadd.s32 s15, s2;
	s8 =	sadd.s32 s19, s2;
	s9 =	sadd.s32 s20, s2  }
0xd: {  	s13 =	sadd.s32 s13, s18;
	s30 =	sadd.s32 s18, s15;
	s31 =	sadd.s32 s18, s19  }
0xe: {  	s19 =	simm.s32 $0x2;
	s13 =	sshrl.u32 s13, $0x3;
	s15 =	sshrl.u32 s31, $0x3  }
0xf: {  	s17 =	smax.u32 s17, $0x1;
	s12 =	sadd.s32 s11, s5;
	s5 =	sadd.s32 s6, s2  }
0x10: {  	s6 =	sadd.s32 s14, s2;
	s10 =	sadd.s32 s10, s11;
	s14 =	sadd.s32 s18, s14  }
0x11: {  	s18 =	sadd.s32 s18, s20;
	s15 =	sadd.s32 s16, s15;
	s20 =	simm.s32 $0x14000  }
0x12: {  	s11 =	sadd.s32 $0x1C00, s12;
	s12 =	sadd.s32 s16, s13;
	s29 =	sshrl.u32 s14, $0x3  }
0x13: {  	s14 =	sshrl.u32 s30, $0x3;
	s18 =	sshrl.u32 s18, $0x3;
	s13 =	sadd.s32 s16, s29  }
0x14: {  	v0 =	vimm.f32 $0.0e+00;
	s14 =	sadd.s32 s16, s14;
	s16 =	sadd.s32 s16, s18;
	s18 =	simm.s32 $0x19000  }
.LBB2_1:
0x15: {  	s25 =	simm.s32 $0x0;
	s26 =	simm.s32 $0x200  }
.LBB2_2:
0x16: {  	p0 =	sne.s32 s26, $0xFE00;
	[tilespmem:s25+$0x19070] =	vst v0  }
0x17: {  	[tilespmem:s25+$0x19000] =	vst v0  }
0x18: {  	[tilespmem:s25+$0x19010] =	vst v0  }
.Ltmp0:
0x19: {  	[tilespmem:s25+$0x19020] =	vst v0;
	(pc) =	sbr.rel @p0 .LBB2_2-.Ltmp0, $4  }
0x1a: {  	[tilespmem:s25+$0x19030] =	vst v0  }
0x1b: {  	[tilespmem:s25+$0x19040] =	vst v0  }
0x1c: {  	[tilespmem:s25+$0x19050] =	vst v0  }
0x1d: {  	[tilespmem:s25+$0x19060] =	vst v0;
	s25 =	sshra.s32 s26, $0x2;
	s26 =	sadd.s32 $0x200, s26  }
0x1e: {  	[tilespmem:s25+$0x19070] =	vst v0  }
0x1f: {  	[tilespmem:s25+$0x19000] =	vst v0  }
0x20: {  	[tilespmem:s25+$0x19010] =	vst v0  }
0x21: {  	[tilespmem:s25+$0x19020] =	vst v0  }
0x22: {  	[tilespmem:s25+$0x19030] =	vst v0  }
0x23: {  	[tilespmem:s25+$0x19040] =	vst v0  }
0x24: {  	[tilespmem:s25+$0x19050] =	vst v0  }
0x25: {  	[tilespmem:s25+$0x19060] =	vst v0  }
0x26: {  	[spmem:s5] =	stream.linear.scatter [tilespmem:s18], [sflag:$0x2], $0x4000, $0x38;
	[tilespmem:$0x1D000] =	vst v63  }
0x27: {  	_ =	swait.ge [sflag:s19], $0x4000  }
0x28: {  	[sflag:s19] =	ssyncset.done $0x0  }
0x29: {  	[sflag:s19] =	ssyncadd.s32 $0xFFFFC000  }
0x2a: {  	[spmem:s6] =	stream.linear.scatter [tilespmem:s18], [sflag:$0x2], $0x4000, $0x38;
	[tilespmem:$0x1D000] =	vst v63  }
0x2b: {  	_ =	swait.ge [sflag:s19], $0x4000  }
0x2c: {  	[sflag:s19] =	ssyncset.done $0x0  }
0x2d: {  	[sflag:s19] =	ssyncadd.s32 $0xFFFFC000  }
0x2e: {  	[spmem:s7] =	stream.linear.scatter [tilespmem:s18], [sflag:$0x2], $0x4000, $0x38;
	[tilespmem:$0x1D000] =	vst v63  }
0x2f: {  	_ =	swait.ge [sflag:s19], $0x4000  }
0x30: {  	[sflag:s19] =	ssyncset.done $0x0  }
0x31: {  	[sflag:s19] =	ssyncadd.s32 $0xFFFFC000  }
0x32: {  	[spmem:s8] =	stream.linear.scatter [tilespmem:s18], [sflag:$0x2], $0x4000, $0x38;
	[tilespmem:$0x1D000] =	vst v63  }
0x33: {  	_ =	swait.ge [sflag:s19], $0x4000  }
0x34: {  	[sflag:s19] =	ssyncset.done $0x0  }
0x35: {  	[sflag:s19] =	ssyncadd.s32 $0xFFFFC000  }
0x36: {  	[spmem:s9] =	stream.linear.scatter [tilespmem:s18], [sflag:$0x2], $0x4000, $0x38;
	[tilespmem:$0x1D000] =	vst v63  }
0x37: {  	_ =	swait.ge [sflag:s19], $0x4000  }
0x38: {  	[sflag:s19] =	ssyncset.done $0x0  }
0x39: {  	s29 =	simm.s32 $0x0;
	[sflag:s19] =	ssyncadd.s32 $0xFFFFC000  }
0x3a: {  	[tilespmem:s20], [sflag:$0x2] =	stream.linear.gather [hbm4b:s10+s29], $0x2800, $0x38;
	[tilespmem:$0x1D000] =	vst v63  }
0x3b: {  	_ =	swait.ge [sflag:s19], $0x2800  }
0x3c: {  	[sflag:s19] =	ssyncset.done $0x0  }
0x3d: {  	[sflag:s19] =	ssyncadd.s32 $0xFFFFD800  }
0x3e: {  	[tilespmem:s21], [sflag:$0x2] =	stream.linear.gather [hbm4b:s11+s29], $0x2800, $0x38;
	[tilespmem:$0x1D000] =	vst v63  }
0x3f: {  	_ =	swait.ge [sflag:s19], $0x2800  }
0x40: {  	[sflag:s19] =	ssyncset.done $0x0  }
0x41: {  	[sflag:s19] =	ssyncadd.s32 $0xFFFFD800  }
0x42: {  	s30 =	simm.s32 $0x14000;
	[bflag:$0x0] =	sbarrier.arrive $0xFFFF  }
0x43: {  	[tilespmem:s18], [sflag:$0x1] =	stream.indirect.gather [hbm4b:s4+s22], $0x80, s30, s22, $0xb8;
	[tilespmem:$0x1D000] =	vst v63  }
0x44: {  	_ =	swait.ge [sflag:s23], $0x4000  }
0x45: {  	[sflag:s23] =	ssyncset.done $0x0  }
0x46: {  	s31 =	simm.s32 $0x16800;
	[sflag:s23] =	ssyncadd.s32 $0xFFFFC000  }
0x47: {  	[spmem:s2] =	stream.indirect.scatter.add.f32 [tilespmem:s18], [sflag:$0x2], $0x80, s31, s22, $0xb8;
	[tilespmem:$0x1D000] =	vst v63  }
0x48: {  	_ =	swait.ge [sflag:s19], $0x4000  }
0x49: {  	s26 =	simm.s32 $0x400;
	s25 =	simm.s32 $0x80;
	[sflag:s19] =	ssyncset.done $0x0  }
.LBB2_4:
0x4a: {  	s28 =	sadd.s32 $0x14000, s25  }
0x4b: {  	[sflag:s19] =	ssyncadd.s32 $0xFFFFC000;
	s29 =	smov.u32 s26;
	s30 =	sadd.s32 $0x200, s26  }
0x4c: {  	[tilespmem:s18], [sflag:$0x1] =	stream.indirect.gather [hbm4b:s4+s22], $0x80, s28, s22, $0xb8;
	[tilespmem:$0x1D000] =	vst v63  }
0x4d: {  	p0 =	sne.s32 s26, $0x9E00;
	_ =	swait.ge [sflag:s23], $0x4000  }
.Ltmp1:
0x4e: {  	[sflag:s23] =	ssyncset.done $0x0;
	(pc) =	sbr.rel @p0 .LBB2_4-.Ltmp1, $4  }
0x4f: {  	s25 =	sadd.s32 $0x16800, s25;
	[sflag:s23] =	ssyncadd.s32 $0xFFFFC000  }
0x50: {  	[spmem:s2] =	stream.indirect.scatter.add.f32 [tilespmem:s18], [sflag:$0x2], $0x80, s25, s22, $0xb8;
	[tilespmem:$0x1D000] =	vst v63  }
0x51: {  	_ =	swait.ge [sflag:s19], $0x4000  }
0x52: {  	s26 =	smov.u32 s30;
	s25 =	sshra.s32 s29, $0x2;
	[sflag:s19] =	ssyncset.done $0x0  }
0x53: {  	s26 =	sadd.s32 $0x14000, s25;
	[sflag:s19] =	ssyncadd.s32 $0xFFFFC000  }
0x54: {  	[tilespmem:s18], [sflag:$0x1] =	stream.indirect.gather [hbm4b:s4+s22], $0x80, s26, s22, $0xb8;
	[tilespmem:$0x1D000] =	vst v63  }
0x55: {  	_ =	swait.ge [sflag:s23], $0x4000  }
0x56: {  	[sflag:s23] =	ssyncset.done $0x0  }
0x57: {  	s31 =	sadd.s32 $0x16800, s25;
	[sflag:s23] =	ssyncadd.s32 $0xFFFFC000  }
0x58: {  	[spmem:s2] =	stream.indirect.scatter.add.f32 [tilespmem:s18], [sflag:$0x2], $0x80, s31, s22, $0xb8;
	[tilespmem:$0x1D000] =	vst v63  }
0x59: {  	_ =	swait.ge [sflag:s19], $0x4000  }
0x5a: {  	[sflag:s19] =	ssyncset.done $0x0  }
0x5b: {  	[sflag:s19] =	ssyncadd.s32 $0xFFFFC000  }
0x5c: {  	[bflag:$0x0] =	sbarrier.arrive $0xFFFF  }
0x5d: {  	[tilespmem:s18], [sflag:$0x2] =	stream.linear.gather [spmem:s5], $0x4000, $0x38;
	[tilespmem:$0x1D000] =	vst v63  }
0x5e: {  	_ =	swait.ge [sflag:s19], $0x4000  }
0x5f: {  	[sflag:s19] =	ssyncset.done $0x0  }
0x60: {  	[sflag:s19] =	ssyncadd.s32 $0xFFFFC000  }
0x61: {  	[hbm4b:s12+s3] =	stream.linear.scatter [tilespmem:s18], [sflag:$0x2], $0x4000, $0x38;
	[tilespmem:$0x1D000] =	vst v63  }
0x62: {  	_ =	swait.ge [sflag:s19], $0x4000  }
0x63: {  	[sflag:s19] =	ssyncset.done $0x0  }
0x64: {  	[sflag:s19] =	ssyncadd.s32 $0xFFFFC000  }
0x65: {  	[tilespmem:s18], [sflag:$0x2] =	stream.linear.gather [spmem:s6], $0x4000, $0x38;
	[tilespmem:$0x1D000] =	vst v63  }
0x66: {  	_ =	swait.ge [sflag:s19], $0x4000  }
0x67: {  	[sflag:s19] =	ssyncset.done $0x0  }
0x68: {  	[sflag:s19] =	ssyncadd.s32 $0xFFFFC000  }
0x69: {  	[hbm4b:s13+s3] =	stream.linear.scatter [tilespmem:s18], [sflag:$0x2], $0x4000, $0x38;
	[tilespmem:$0x1D000] =	vst v63  }
0x6a: {  	_ =	swait.ge [sflag:s19], $0x4000  }
0x6b: {  	[sflag:s19] =	ssyncset.done $0x0  }
0x6c: {  	[sflag:s19] =	ssyncadd.s32 $0xFFFFC000  }
0x6d: {  	[tilespmem:s18], [sflag:$0x2] =	stream.linear.gather [spmem:s7], $0x4000, $0x38;
	[tilespmem:$0x1D000] =	vst v63  }
0x6e: {  	_ =	swait.ge [sflag:s19], $0x4000  }
0x6f: {  	[sflag:s19] =	ssyncset.done $0x0  }
0x70: {  	[sflag:s19] =	ssyncadd.s32 $0xFFFFC000  }
0x71: {  	[hbm4b:s14+s3] =	stream.linear.scatter [tilespmem:s18], [sflag:$0x2], $0x4000, $0x38;
	[tilespmem:$0x1D000] =	vst v63  }
0x72: {  	_ =	swait.ge [sflag:s19], $0x4000  }
0x73: {  	[sflag:s19] =	ssyncset.done $0x0  }
0x74: {  	[sflag:s19] =	ssyncadd.s32 $0xFFFFC000  }
0x75: {  	[tilespmem:s18], [sflag:$0x2] =	stream.linear.gather [spmem:s8], $0x4000, $0x38;
	[tilespmem:$0x1D000] =	vst v63  }
0x76: {  	_ =	swait.ge [sflag:s19], $0x4000  }
0x77: {  	[sflag:s19] =	ssyncset.done $0x0  }
0x78: {  	[sflag:s19] =	ssyncadd.s32 $0xFFFFC000  }
0x79: {  	[hbm4b:s15+s3] =	stream.linear.scatter [tilespmem:s18], [sflag:$0x2], $0x4000, $0x38;
	[tilespmem:$0x1D000] =	vst v63  }
0x7a: {  	_ =	swait.ge [sflag:s19], $0x4000  }
0x7b: {  	[sflag:s19] =	ssyncset.done $0x0  }
0x7c: {  	[sflag:s19] =	ssyncadd.s32 $0xFFFFC000  }
0x7d: {  	[tilespmem:s18], [sflag:$0x2] =	stream.linear.gather [spmem:s9], $0x4000, $0x38;
	[tilespmem:$0x1D000] =	vst v63  }
0x7e: {  	s24 =	sadd.s32 $0x1, s24;
	_ =	swait.ge [sflag:s19], $0x4000  }
0x7f: {  	p0 =	sne.s32 s24, s17;
	[sflag:s19] =	ssyncset.done $0x0  }
.Ltmp2:
0x80: {  	[sflag:s19] =	ssyncadd.s32 $0xFFFFC000;
	(pc) =	sbr.rel @p0 .LBB2_1-.Ltmp2, $4  }
0x81: {  	[hbm4b:s16+s3] =	stream.linear.scatter [tilespmem:s18], [sflag:$0x2], $0x4000, $0x38;
	[tilespmem:$0x1D000] =	vst v63  }
0x82: {  	_ =	swait.ge [sflag:s19], $0x4000  }
0x83: {  	[sflag:s19] =	ssyncset.done $0x0  }
0x84: {  	[sflag:s19] =	ssyncadd.s32 $0xFFFFC000  }
0x85: {  	_ =	sfence.sel $0x180000  }
0x86: {  	[bflag:$0x0] =	sbarrier.arrive $0xFFFF  }
0x87: {  	p0 =	sne.s32 s1, $0x0;
	_ =	strace $0x9000004A  }
0x88: {  	s0 =	sadd.s32 @!p0 $0x100000, s0;
	[bflag:$0x2] =	sbarrier.arrive $0xFFFF  }
0x89: {  	[sflag:s0] =	ssyncadd.tile.s32 @!p0 $0x1;
	_ =	shalt  }
.Lfunc_end2:
_tile_overlayer_lowered:
.L_overlay_start_2:
0x8a: {  	(tag) =	ssettag $0x2  }
0x8b: {  	s0 =	rddreg [dreg:$0x0];
	s2 =	stileid.u32  }
0x8c: {  	s1 =	rddreg [dreg:$0x1];
	p0 =	sne.s32 s2, $0x0  }
0x8d: {  	s3 =	rddreg [dreg:$0x2];
	[bflag:$0x3] =	sbarrier.arrive $0xFFFF;
	s2 =	simm.s32 @!p0 $0x1C02  }
0x8e: {  	[timem:s3], [sflag:s2] =	dma.local @!p0 [hbm:s0], s1  }
0x8f: {  	s0 =	simm.s32 @!p0 $0x2  }
0x90: {  	_ =	swait.ge @!p0 [sflag:s0], s1  }
0x91: {  	s1 =	ssub.s32 @!p0 $0x0, s1;
	[sflag:s0] =	ssyncset.done @!p0 $0x0  }
0x92: {  	[sflag:s0] =	ssyncadd.s32 @!p0 s1  }
0x93: {  	[bflag:$0x3] =	sbarrier.arrive $0xFFFF  }
0x94: {  	_ =	shalt  }

// kernel: kernel.7.cloned.1.call-start
scs
__scs_entry_jumppad:
0x0: {  	(pc) =	sbr.rel $0x88, $3  }
0x1: {  	(tag) =	ssettag $0x0;
	lr =	simm.s32 $0x1  }
0x2: {  	[smem:$0x3F9D] =	sst lr;
	_ =	strace $0xD0000000  }
0x3: {  	_ = 	snop  }
0x4: {  	_ = 	snop  }
0x5: {  	_ = 	snop  }
0x6: {  	_ = 	snop  }
0x7: {  	_ = 	snop  }
__scs_overlays_trampoline_lowered:
0x8: {  	[smem:$0x3FAC] =	sst s0  }
0x9: {  	[smem:$0x3FAD] =	sst s1  }
0xa: {  	[smem:$0x3FAE] =	sst s2  }
0xb: {  	[smem:$0x3FAF] =	sst s3  }
0xc: {  	[smem:$0x3FB0] =	sst s4  }
0xd: {  	[smem:$0x3FB1] =	sst s5  }
0xe: {  	[smem:$0x3FB2] =	sst s6  }
0xf: {  	[smem:$0x3FB3] =	sst s7  }
0x10: {  	[smem:$0x3FB4] =	sst s8  }
0x11: {  	[smem:$0x3FB5] =	sst s9;
	s0 =	simm.s32 @!p0 $0x0  }
0x12: {  	s1 =	sld [smem:$0x3F9B];
	s0 =	simm.s32 @p0 $0x1  }
0x13: {  	[smem:$0x3FB6] =	sst s0;
	s0 =	simm.s32 @!p1 $0x0  }
0x14: {  	s2 =	sld [smem:$0x3F9A];
	s0 =	simm.s32 @p1 $0x1  }
0x15: {  	[smem:$0x3FB7] =	sst s0;
	s0 =	simm.s32 @!p2 $0x0  }
0x16: {  	s3 =	sld [smem:$0x3FDB];
	s0 =	simm.s32 @p2 $0x1  }
0x17: {  	s4 =	simm.s32 $0x1BF5;
	[smem:$0x3FB9] =	sst s0  }
0x18: {  	s0 =	sld [smem:$0x3F9C];
	_ =	swait.ge [sflag:s4], $0x0  }
0x19: {  	s7 =	sld [smem:$0x3F9D]  }
0x1a: {  	s8 =	sadd.s32 $0xFFFFE003, lr  }
0x1b: {  	s9 =	sadd.s32 $0xFFFFFEF7, lr;
	s5 =	simm.s32 $0xFFFFFFFF;
	p2 =	slt.u32 s8, $0xFFFFF086  }
0x1c: {  	p1 =	slt.u32 s9, $0xF7A;
	s5 =	simm.s32 @!p2 $0x0  }
0x1d: {  	s5 =	simm.s32 @p1 $0x1;
	p0 =	seq.s32 s7, s2  }
0x1e: {  	s7 =	smul.u32 @!p0 $0xF7A, s2;
	p2 =	seq.s32 @!p0 s5, $0x0  }
0x1f: {  	s9 =	smul.u32 $0xF7A, s1;
	s8 =	simm.s32 @!p0 $0x1BF5;
	p2 =	por !p2, p0  }
0x20: {  	[sflag:s8] =	ssyncset.s32 @!p0 $0xFFFFF086;
	s6 =	sadd.s32 @!p0 s3, s7;
	s7 =	simm.s32 @!p0 $0x108  }
0x21: {  	s3 =	sadd.s32 s3, s9;
	s6 =	sadd.s32 @!p0 $0x88, s6;
	s7 =	simm.s32 @p2 $0x1082  }
0x22: {  	[simem:s7], [sflag:s8] =	dma.local @!p0 [hbm:s6], $0xF7A  }
0x23: {  	s9 =	sor.u32 $0xD0000000, s2;
	s6 =	simm.s32 $0x108;
	_ =	swait.ge @!p0 [sflag:s8], $0x0  }
0x24: {  	s3 =	sadd.s32 $0x88, s3;
	s6 =	simm.s32 @!p1 $0x1082;
	[sflag:s4] =	ssyncset.s32 $0xFFFFF086  }
0x25: {  	[simem:s6], [sflag:s4] =	dma.local [hbm:s3], $0xF7A  }
0x26: {  	[smem:$0x3F9D] =	sst s1;
	(tag) =	ssettag s2;
	_ =	strace s9  }
0x27: {  	s1 =	sld [smem:$0x3FAD]  }
0x28: {  	s2 =	sld [smem:$0x3FAE]  }
0x29: {  	s4 =	sld [smem:$0x3FB0]  }
0x2a: {  	p0 =	seq.s32 s5, $0x0;
	s5 =	sld [smem:$0x3FB1]  }
0x2b: {  	s6 =	sld [smem:$0x3FB2]  }
0x2c: {  	s7 =	sld [smem:$0x3FB3]  }
0x2d: {  	s3 =	simm.s32 $0x108;
	s8 =	sld [smem:$0x3FB4]  }
0x2e: {  	s3 =	simm.s32 @!p0 $0x1082;
	s9 =	sld [smem:$0x3FB5]  }
0x2f: {  	lr =	sadd.s32 s0, s3;
	s0 =	sld [smem:$0x3FAC]  }
0x30: {  	s3 =	sld [smem:$0x3FAF]  }
0x31: {  	[smem:$0x3FB8] =	sst s10  }
0x32: {  	s10 =	sld [smem:$0x3FB6];
	_ =	sdelay $0x3  }
0x33: {  	p0 =	seq.s32 s10, $0x1;
	s10 =	sld [smem:$0x3FB8];
	_ =	sdelay $0x3  }
0x34: {  	[smem:$0x3FB8] =	sst s10  }
0x35: {  	s10 =	sld [smem:$0x3FB7];
	_ =	sdelay $0x3  }
0x36: {  	p1 =	seq.s32 s10, $0x1;
	s10 =	sld [smem:$0x3FB8];
	_ =	sdelay $0x3  }
0x37: {  	[smem:$0x3FB8] =	sst s10  }
0x38: {  	s10 =	sld [smem:$0x3FB9]  }
0x39: {  	_ = 	snop;
	(pc) =	sbr.ind lr, $3  }
0x3a: {  	_ = 	snop  }
0x3b: {  	_ = 	snop  }
0x3c: {  	p2 =	seq.s32 s10, $0x1;
	s10 =	sld [smem:$0x3FB8]  }
0x3d: {  	_ =	shalt  }
0x3e: {  	_ =	shalt  }
0x3f: {  	_ =	shalt  }
0x40: {  	_ =	shalt  }
0x41: {  	_ =	shalt  }
0x42: {  	_ =	shalt  }
0x43: {  	_ =	shalt  }
0x44: {  	_ =	shalt  }
0x45: {  	_ =	shalt  }
0x46: {  	_ =	shalt  }
0x47: {  	_ =	shalt  }
0x48: {  	_ =	shalt  }
0x49: {  	_ =	shalt  }
0x4a: {  	_ =	shalt  }
0x4b: {  	_ =	shalt  }
0x4c: {  	_ =	shalt  }
0x4d: {  	_ =	shalt  }
0x4e: {  	_ =	shalt  }
0x4f: {  	_ =	shalt  }
0x50: {  	_ =	shalt  }
0x51: {  	_ =	shalt  }
0x52: {  	_ =	shalt  }
0x53: {  	_ =	shalt  }
0x54: {  	_ =	shalt  }
0x55: {  	_ =	shalt  }
0x56: {  	_ =	shalt  }
0x57: {  	_ =	shalt  }
0x58: {  	_ =	shalt  }
0x59: {  	_ =	shalt  }
0x5a: {  	_ =	shalt  }
0x5b: {  	_ =	shalt  }
0x5c: {  	_ =	shalt  }
0x5d: {  	_ =	shalt  }
0x5e: {  	_ =	shalt  }
0x5f: {  	_ =	shalt  }
0x60: {  	_ =	shalt  }
0x61: {  	_ =	shalt  }
0x62: {  	_ =	shalt  }
0x63: {  	_ =	shalt  }
0x64: {  	_ =	shalt  }
0x65: {  	_ =	shalt  }
0x66: {  	_ =	shalt  }
0x67: {  	_ =	shalt  }
0x68: {  	_ =	shalt  }
0x69: {  	_ =	shalt  }
0x6a: {  	_ =	shalt  }
0x6b: {  	_ =	shalt  }
0x6c: {  	_ =	shalt  }
0x6d: {  	_ =	shalt  }
0x6e: {  	_ =	shalt  }
0x6f: {  	_ =	shalt  }
0x70: {  	_ =	shalt  }
0x71: {  	_ =	shalt  }
0x72: {  	_ =	shalt  }
0x73: {  	_ =	shalt  }
0x74: {  	_ =	shalt  }
0x75: {  	_ =	shalt  }
0x76: {  	_ =	shalt  }
0x77: {  	_ =	shalt  }
0x78: {  	_ =	shalt  }
0x79: {  	_ =	shalt  }
0x7a: {  	_ =	shalt  }
0x7b: {  	_ =	shalt  }
0x7c: {  	_ =	shalt  }
0x7d: {  	_ =	shalt  }
0x7e: {  	_ =	shalt  }
0x7f: {  	_ =	shalt  }
0x80: {  	_ =	shalt  }
0x81: {  	_ =	shalt  }
0x82: {  	_ =	shalt  }
0x83: {  	_ =	shalt  }
0x84: {  	_ =	shalt  }
0x85: {  	_ =	shalt  }
0x86: {  	_ =	shalt  }
0x87: {  	_ =	shalt  }
.Lfunc_end0:
.L_simem_size_0:
called_computation_lowered:
.L_overlay_start_0:
0x88: {  	s2 =	sld [smem:$0x3FD9]  }
0x89: {  	s3 =	sld [smem:$0x3FFE];
	_ =	sdelay $0x1  }
0x8a: {  	s1 =	srdreg.scid  }
0x8b: {  	s0 =	sand.u32 $0x1, s1  }
0x8c: {  	s16 =	sshll.u32 s0, $0xA;
	s2 =	sadd.s32 s3, s2  }
0x8d: {  	s2 =	sadd.s32 s2, s16  }
0x8e: {  	[smem:$0x3FC4] =	sst s2  }
0x8f: {  	_ = 	snop  }
0x90: {  	(tm) =	ssettm $0x1  }
0x91: {  	s17 =	sld [smem:$0x3FFB];
	_ =	sdelay $0x3  }
0x92: {  	_ =	strace s17  }
0x93: {  	s2 =	sld [smem:$0x3FFC];
	_ =	sdelay $0x3  }
0x94: {  	_ =	strace s2  }
0x95: {  	s2 =	sld [smem:$0x3FFD];
	_ =	sdelay $0x3  }
0x96: {  	_ =	strace s2  }
0x97: {  	_ =	strace $0x8FFFFFFF  }
0x98: {  	s18 =	sld [smem:$0x3FDB];
	_ =	sdelay $0x1  }
0x99: {  	s19 =	simm.s32 $_scs_section_size  }
0x9a: {  	s4 =	simm.s32 $_size__tile_overlayer_lowered;
	s5 =	simm.s32 $_tile_overlayer_lowered  }
0x9b: {  	s22 =	simm.s32 $0x1BFF;
	s21 =	sshll.u32 s5, $0x1;
	s2 =	sadd.s32 s19, s18  }
0x9c: {  	s6 =	simm.s32 $0x0;
	s20 =	sshll.u32 s4, $0x1;
	s4 =	sadd.s32 s21, s2  }
0x9d: {  	[timem:s6], [sflag:s22] =	dma.local [hbm:s4], s20  }
0x9e: {  	_ =	swait.ge [sflag:s22], s20  }
0x9f: {  	s3 =	ssub.s32 $0x0, s20;
	[sflag:s22] =	ssyncset.done $0x0  }
0xa0: {  	[sflag:s22] =	ssyncadd.s32 s3;
	_ =	sdelay $0x1  }
0xa1: {  	s23 =	simm.s32 $0x1B8B  }
0xa2: {  	_ =	swait.ge [sflag:s23], $0x1  }
0xa3: {  	[sflag:s23] =	ssyncset.done $0x0  }
0xa4: {  	s25 =	simm.s32 $0x1B8E;
	s24 =	sld [smem:$0x3FFE];
	[sflag:s23] =	ssyncadd.s32 $0xFFFFFFFF  }
0xa5: {  	s26 =	simm.s32 $execute0_lowered;
	[smem:$0x3FD2] =	sst s25  }
0xa6: {  	s4 =	sshll.u32 s26, $0x1;
	_ =	strace $0x80000046;
	[dreg:$0x1] =	wrdreg $0xFFFFFFFF  }
0xa7: {  	s28 =	simm.s32 $_size_execute0_lowered;
	s2 =	sadd.s32 s2, s4;
	[dreg:$0x0] =	wrdreg $0x0  }
0xa8: {  	s4 =	sshll.u32 s28, $0x1;
	[dreg:$0x2] =	wrdreg s2  }
0xa9: {  	[dreg:$0x3] =	wrdreg s4  }
0xaa: {  	[dreg:$0x4] =	wrdreg $0xC0  }
0xab: {  	_ =	task [dreg:s6], $0x5FFFF  }
0xac: {  	[dreg:$0x1] =	wrdreg $0xFFFFFFFF  }
0xad: {  	[dreg:$0x0] =	wrdreg $0x60  }
0xae: {  	[dreg:$0x2] =	wrdreg s24  }
0xaf: {  	[dreg:$0x3] =	wrdreg $0x0  }
0xb0: {  	[dreg:$0x4] =	wrdreg $0x9  }
0xb1: {  	_ =	task.clear_ibuf [dreg:s6], $0x5FFFF;
	_ =	strace $0x90000046  }
0xb2: {  	s29 =	simm.s32 $0x9;
	_ =	strace $0x80000048  }
0xb3: {  	_ =	swait.ge [sflag:s29], $0x1  }
0xb4: {  	[sflag:s29] =	ssyncadd.s32 $0xFFFFFFFF  }
0xb5: {  	_ =	strace $0x90000048  }
0xb6: {  	_ =	sfence  }
0xb7: {  	s30 =	sld [smem:$0x0];
	_ =	sdelay $0x2  }
0xb8: {  	s31 =	sshll.u32 s1, $0xD;
	s1 =	sshrl.u32 s1, $0x2  }
0xb9: {  	s3 =	sand.u32 $0x4000, s31;
	s1 =	sadd.s32 s1, s30  }
0xba: {  	s0 =	sor.u32 s3, s0;
	s1 =	sshll.u32 s1, $0x11  }
0xbb: {  	s0 =	sor.u32 s1, s0  }
0xbc: {  	s0 =	sadd.s32 $0x8F2B, s0  }
0xbd: {  	[sflag:s0] =	ssyncadd.remote.s32 $0x1  }
0xbe: {  	_ =	sfence.sel $0xFFFF  }
0xbf: {  	[dreg:$0x0] =	wrdreg $0xFFFFFFFF;
	(pc) =	sbr.abs _section_cstart, $3  }
0xc0: {  	[dreg:$0x1] =	wrdreg $0xFFFFFFFF  }
0xc1: {  	_ =	task.clear_ibuf [dreg:s6], $0x2FFFF;
	_ =	strace $0x9FFFFFFF  }
0xc2: {  	(tm) =	ssettm $0x7FFFFFFF  }
0xc3: {  	_ =	shalt  }
tec
execute0_lowered:
.L_overlay_start_1:
0x0: {  	(tag) =	ssettag $0x1  }
0x1: {  	s0 =	srdreg.scid;
	s4 =	rddreg [dreg:$0x0]  }
0x2: {  	s2 =	rddreg [dreg:$0x1];
	s3 =	simm.s32 $0x0;
	s19 =	simm.s32 $0x80  }
0x3: {  	s20 =	simm.s32 $0x5000;
	s6 =	sand.u32 $0x1, s0;
	s0 =	stileid.u32  }
0x4: {  	s21 =	simm.s32 $0x0;
	[smem:$0x7FF] =	sst s3;
	s7 =	smul.u32 $0x50000, s0  }
0x5: {  	s14 =	sadd.s32 $0xBC00, s4;
	s1 =	sshll.u32 s6, $0x4;
	s9 =	smul.u32 $0x14000, s0  }
0x6: {  	s29 =	ssub.s32 $0x2, s6;
	s16 =	smul.u32 $0x140000, s6;
	s5 =	sor.u32 s0, s1  }
0x7: {  	s1 =	rddreg [dreg:$0x2];
	_ =	strace $0x80000047;
	s30 =	sshrl.u32 s29, $0x1  }
0x8: {  	s5 =	smul.u32 $0x500, s5;
	s7 =	sshrl.u32 s7, $0x2;
	s11 =	sadd.s32 $0x4000, s9  }
0x9: {  	s15 =	ssub.s32 s29, s30;
	s12 =	sadd.s32 $0x8000, s9;
	s13 =	sadd.s32 $0xC000, s9  }
0xa: {  	s17 =	sadd.s32 $0x10000, s9;
	s18 =	sadd.s32 s9, s16;
	s6 =	sadd.s32 s12, s2  }
0xb: {  	s8 =	sadd.s32 s17, s2;
	s31 =	sshrl.u32 s18, $0x3;
	s12 =	sadd.s32 s16, s12  }
0xc: {  	s15 =	smax.u32 s15, $0x1;
	s18 =	simm.s32 $0x2800;
	s10 =	sadd.s32 s5, s4  }
0xd: {  	s4 =	sadd.s32 s7, s2;
	s5 =	sadd.s32 s11, s2;
	s7 =	sadd.s32 s13, s2  }
0xe: {  	s11 =	sadd.s32 s16, s11;
	s12 =	sshrl.u32 s12, $0x3;
	s13 =	sadd.s32 s16, s13  }
0xf: {  	s16 =	sadd.s32 s16, s17;
	s17 =	simm.s32 $0x1;
	s9 =	sadd.s32 $0x1C00, s10  }
0x10: {  	s11 =	sshrl.u32 s11, $0x3;
	s10 =	sadd.s32 s14, s31;
	s12 =	sadd.s32 s14, s12  }
0x11: {  	s13 =	sshrl.u32 s13, $0x3;
	s16 =	sshrl.u32 s16, $0x3;
	s11 =	sadd.s32 s14, s11  }
0x12: {  	v0 =	vimm.f32 $1.000000000e+00;
	v1 =	vimm.f32 $0.0e+00;
	s13 =	sadd.s32 s14, s13;
	s14 =	sadd.s32 s14, s16;
	s16 =	simm.s32 $0x9000  }
.LBB2_1:
0x13: {  	s22 =	simm.s32 $0x200;
	s23 =	simm.s32 $0x0  }
.LBB2_2:
0x14: {  	p0 =	sne.s32 s22, $0xFE00;
	[tilespmem:s23+$0x5000] =	vst v0;
	s24 =	smov.u32 s22;
	s22 =	sadd.s32 $0x200, s22  }
.Ltmp0:
0x15: {  	[tilespmem:s23+$0x9000] =	vst v1;
	(pc) =	sbr.rel @p0 .LBB2_2-.Ltmp0, $2  }
0x16: {  	_ =	sdelay $0x2  }
0x17: {  	s23 =	sshra.s32 s24, $0x2  }
0x18: {  	[tilespmem:s23+$0x5000] =	vst v0  }
0x19: {  	[tilespmem:s23+$0x9000] =	vst v1  }
0x1a: {  	[spmem:s4] =	stream.linear.scatter [tilespmem:s16], [sflag:$0x1], $0x4000, $0x38;
	[tilespmem:$0xD000] =	vst v63  }
0x1b: {  	_ =	swait.ge [sflag:s17], $0x4000  }
0x1c: {  	[sflag:s17] =	ssyncset.done $0x0  }
0x1d: {  	[sflag:s17] =	ssyncadd.s32 $0xFFFFC000  }
0x1e: {  	[spmem:s5] =	stream.linear.scatter [tilespmem:s16], [sflag:$0x1], $0x4000, $0x38;
	[tilespmem:$0xD000] =	vst v63  }
0x1f: {  	_ =	swait.ge [sflag:s17], $0x4000  }
0x20: {  	[sflag:s17] =	ssyncset.done $0x0  }
0x21: {  	[sflag:s17] =	ssyncadd.s32 $0xFFFFC000  }
0x22: {  	[spmem:s6] =	stream.linear.scatter [tilespmem:s16], [sflag:$0x1], $0x4000, $0x38;
	[tilespmem:$0xD000] =	vst v63  }
0x23: {  	_ =	swait.ge [sflag:s17], $0x4000  }
0x24: {  	[sflag:s17] =	ssyncset.done $0x0  }
0x25: {  	[sflag:s17] =	ssyncadd.s32 $0xFFFFC000  }
0x26: {  	[spmem:s7] =	stream.linear.scatter [tilespmem:s16], [sflag:$0x1], $0x4000, $0x38;
	[tilespmem:$0xD000] =	vst v63  }
0x27: {  	_ =	swait.ge [sflag:s17], $0x4000  }
0x28: {  	[sflag:s17] =	ssyncset.done $0x0  }
0x29: {  	[sflag:s17] =	ssyncadd.s32 $0xFFFFC000  }
0x2a: {  	[spmem:s8] =	stream.linear.scatter [tilespmem:s16], [sflag:$0x1], $0x4000, $0x38;
	[tilespmem:$0xD000] =	vst v63  }
0x2b: {  	_ =	swait.ge [sflag:s17], $0x4000  }
0x2c: {  	[sflag:s17] =	ssyncset.done $0x0  }
0x2d: {  	s22 =	simm.s32 $0x0;
	[sflag:s17] =	ssyncadd.s32 $0xFFFFC000  }
0x2e: {  	[tilespmem:s18], [sflag:$0x1] =	stream.linear.gather [hbm4b:s9+s22], $0x2800, $0x38;
	[tilespmem:$0xD000] =	vst v63  }
0x2f: {  	_ =	swait.ge [sflag:s17], $0x2800  }
0x30: {  	[sflag:s17] =	ssyncset.done $0x0  }
0x31: {  	[sflag:s17] =	ssyncadd.s32 $0xFFFFD800  }
0x32: {  	s31 =	simm.s32 $0x2800;
	[bflag:$0x0] =	sbarrier.arrive $0xFFFF  }
0x33: {  	[spmem:s2] =	stream.indirect.scatter.add.f32 [tilespmem:s20], [sflag:$0x1], $0x10, s31, s19, $0xb8;
	[tilespmem:$0xD000] =	vst v63  }
0x34: {  	s22 =	simm.s32 $0x200;
	_ =	swait.ge [sflag:s17], $0x800  }
.LBB2_4:
0x35: {  	s23 =	sshra.s32 s22, $0x2;
	[sflag:s17] =	ssyncset.done $0x0;
	p0 =	sne.s32 s22, $0x9E00  }
.Ltmp1:
0x36: {  	s23 =	sadd.s32 $0x2800, s23;
	[sflag:s17] =	ssyncadd.s32 $0xFFFFF800;
	(pc) =	sbr.rel @p0 .LBB2_4-.Ltmp1, $3  }
0x37: {  	[spmem:s2] =	stream.indirect.scatter.add.f32 [tilespmem:s20], [sflag:$0x1], $0x10, s23, s19, $0xb8;
	[tilespmem:$0xD000] =	vst v63  }
0x38: {  	s22 =	sadd.s32 $0x200, s22;
	_ =	sdelay $0x1  }
0x39: {  	_ =	swait.ge [sflag:s17], $0x800  }
0x3a: {  	[sflag:s17] =	ssyncset.done $0x0  }
0x3b: {  	[sflag:s17] =	ssyncadd.s32 $0xFFFFF800  }
0x3c: {  	[bflag:$0x0] =	sbarrier.arrive $0xFFFF  }
0x3d: {  	[tilespmem:s16], [sflag:$0x1] =	stream.linear.gather [spmem:s4], $0x4000, $0x38;
	[tilespmem:$0xD000] =	vst v63  }
0x3e: {  	_ =	swait.ge [sflag:s17], $0x4000  }
0x3f: {  	[sflag:s17] =	ssyncset.done $0x0  }
0x40: {  	[sflag:s17] =	ssyncadd.s32 $0xFFFFC000  }
0x41: {  	[hbm4b:s10+s3] =	stream.linear.scatter [tilespmem:s16], [sflag:$0x1], $0x4000, $0x38;
	[tilespmem:$0xD000] =	vst v63  }
0x42: {  	_ =	swait.ge [sflag:s17], $0x4000  }
0x43: {  	[sflag:s17] =	ssyncset.done $0x0  }
0x44: {  	[sflag:s17] =	ssyncadd.s32 $0xFFFFC000  }
0x45: {  	[tilespmem:s16], [sflag:$0x1] =	stream.linear.gather [spmem:s5], $0x4000, $0x38;
	[tilespmem:$0xD000] =	vst v63  }
0x46: {  	_ =	swait.ge [sflag:s17], $0x4000  }
0x47: {  	[sflag:s17] =	ssyncset.done $0x0  }
0x48: {  	[sflag:s17] =	ssyncadd.s32 $0xFFFFC000  }
0x49: {  	[hbm4b:s11+s3] =	stream.linear.scatter [tilespmem:s16], [sflag:$0x1], $0x4000, $0x38;
	[tilespmem:$0xD000] =	vst v63  }
0x4a: {  	_ =	swait.ge [sflag:s17], $0x4000  }
0x4b: {  	[sflag:s17] =	ssyncset.done $0x0  }
0x4c: {  	[sflag:s17] =	ssyncadd.s32 $0xFFFFC000  }
0x4d: {  	[tilespmem:s16], [sflag:$0x1] =	stream.linear.gather [spmem:s6], $0x4000, $0x38;
	[tilespmem:$0xD000] =	vst v63  }
0x4e: {  	_ =	swait.ge [sflag:s17], $0x4000  }
0x4f: {  	[sflag:s17] =	ssyncset.done $0x0  }
0x50: {  	[sflag:s17] =	ssyncadd.s32 $0xFFFFC000  }
0x51: {  	[hbm4b:s12+s3] =	stream.linear.scatter [tilespmem:s16], [sflag:$0x1], $0x4000, $0x38;
	[tilespmem:$0xD000] =	vst v63  }
0x52: {  	_ =	swait.ge [sflag:s17], $0x4000  }
0x53: {  	[sflag:s17] =	ssyncset.done $0x0  }
0x54: {  	[sflag:s17] =	ssyncadd.s32 $0xFFFFC000  }
0x55: {  	[tilespmem:s16], [sflag:$0x1] =	stream.linear.gather [spmem:s7], $0x4000, $0x38;
	[tilespmem:$0xD000] =	vst v63  }
0x56: {  	_ =	swait.ge [sflag:s17], $0x4000  }
0x57: {  	[sflag:s17] =	ssyncset.done $0x0  }
0x58: {  	[sflag:s17] =	ssyncadd.s32 $0xFFFFC000  }
0x59: {  	[hbm4b:s13+s3] =	stream.linear.scatter [tilespmem:s16], [sflag:$0x1], $0x4000, $0x38;
	[tilespmem:$0xD000] =	vst v63  }
0x5a: {  	_ =	swait.ge [sflag:s17], $0x4000  }
0x5b: {  	[sflag:s17] =	ssyncset.done $0x0  }
0x5c: {  	[sflag:s17] =	ssyncadd.s32 $0xFFFFC000  }
0x5d: {  	[tilespmem:s16], [sflag:$0x1] =	stream.linear.gather [spmem:s8], $0x4000, $0x38;
	[tilespmem:$0xD000] =	vst v63  }
0x5e: {  	s21 =	sadd.s32 $0x1, s21;
	_ =	swait.ge [sflag:s17], $0x4000  }
0x5f: {  	p0 =	sne.s32 s21, s15;
	[sflag:s17] =	ssyncset.done $0x0  }
.Ltmp2:
0x60: {  	[sflag:s17] =	ssyncadd.s32 $0xFFFFC000;
	(pc) =	sbr.rel @p0 .LBB2_1-.Ltmp2, $4  }
0x61: {  	[hbm4b:s14+s3] =	stream.linear.scatter [tilespmem:s16], [sflag:$0x1], $0x4000, $0x38;
	[tilespmem:$0xD000] =	vst v63  }
0x62: {  	_ =	swait.ge [sflag:s17], $0x4000  }
0x63: {  	[sflag:s17] =	ssyncset.done $0x0  }
0x64: {  	[sflag:s17] =	ssyncadd.s32 $0xFFFFC000  }
0x65: {  	_ =	sfence.sel $0x180000  }
0x66: {  	[bflag:$0x0] =	sbarrier.arrive $0xFFFF  }
0x67: {  	p0 =	sne.s32 s0, $0x0;
	_ =	strace $0x90000047  }
0x68: {  	s0 =	sadd.s32 @!p0 $0x100000, s1;
	[bflag:$0x2] =	sbarrier.arrive $0xFFFF  }
0x69: {  	[sflag:s0] =	ssyncadd.tile.s32 @!p0 $0x1;
	_ =	shalt  }
.Lfunc_end2:
_tile_overlayer_lowered:
.L_overlay_start_2:
0x6a: {  	(tag) =	ssettag $0x2  }
0x6b: {  	s0 =	rddreg [dreg:$0x0];
	s2 =	stileid.u32  }
0x6c: {  	s1 =	rddreg [dreg:$0x1];
	p0 =	sne.s32 s2, $0x0  }
0x6d: {  	s3 =	rddreg [dreg:$0x2];
	[bflag:$0x3] =	sbarrier.arrive $0xFFFF;
	s2 =	simm.s32 @!p0 $0x1C01  }
0x6e: {  	[timem:s3], [sflag:s2] =	dma.local @!p0 [hbm:s0], s1  }
0x6f: {  	s0 =	simm.s32 @!p0 $0x1  }
0x70: {  	_ =	swait.ge @!p0 [sflag:s0], s1  }
0x71: {  	s1 =	ssub.s32 @!p0 $0x0, s1;
	[sflag:s0] =	ssyncset.done @!p0 $0x0  }
0x72: {  	[sflag:s0] =	ssyncadd.s32 @!p0 s1  }
0x73: {  	[bflag:$0x3] =	sbarrier.arrive $0xFFFF  }
0x74: {  	_ =	shalt  }

</sc_bundles>
